<compile_context>
chip_gen: v7x
topology: tpu7x:2x2x1
jax: 0.10.2.dev20260603
libtpu: 0.0.44.dev20260713+nightly
codegen_flags: <defaults>
</compile_context>

<pallas_src>
import functools

import jax
import jax.numpy as jnp
from jax import lax
from jax.experimental import pallas as pl
from jax.experimental.pallas import tpu as pltpu
from jax.experimental.pallas import tpu_sc as plsc

B = 32
N_J = 50
N_M = 20
N = N_J * N_M
D = 64
H = 64
G = 2

_NEG_INF = float("-inf")

_WD01, _WD02, _WD11, _WD12 = 0, 128, 256, 384
_A1C, _A1H, _A1M, _AW2, _CW1 = 0, 64, 128, 192, 256
_B01, _B02, _B11, _B12 = 320, 321, 322, 323
_AB1, _AB2, _CB1, _AW3, _CW2, _MISC = 324, 325, 326, 327, 328, 329

_RPW = 8
_NW = B // _RPW
_PAD_W = 32


def _sc_gather(table, idx):
    mesh = plsc.VectorSubcoreMesh(core_axis_name="c", subcore_axis_name="s")

    @functools.partial(
        pl.kernel, mesh=mesh,
        compiler_params=pltpu.CompilerParams(use_tc_tiling_on_sc=False),
        out_type=jax.ShapeDtypeStruct((B, _PAD_W), jnp.float32),
        scratch_types=[
            pltpu.VMEM((_RPW,), jnp.int32),
            pltpu.VMEM((_RPW, _PAD_W), jnp.float32),
            pltpu.SemaphoreType.DMA,
        ],
    )
    def k(table_hbm, idx_hbm, out_hbm, idx_v, rows_v, sem):
        wid = lax.axis_index("s") * 2 + lax.axis_index("c")

        @pl.when(wid < _NW)
        def _():
            base = wid * _RPW
            pltpu.sync_copy(idx_hbm.at[pl.ds(base, _RPW)], idx_v)
            pltpu.async_copy(table_hbm.at[idx_v], rows_v, sem).wait()
            pltpu.sync_copy(rows_v, out_hbm.at[pl.ds(base, _RPW)])

    return k(table, idx)


def _sc_action_rows(dur, mask_mch, old_action):
    f32 = jnp.float32
    i32 = jnp.int32
    dur2 = dur.reshape(B * N, N_M)
    mm_w = jax.lax.bitcast_convert_type(
        mask_mch.view(jnp.int8).reshape(B * N, N_M // 4, 4), i32)
    table = jnp.concatenate(
        [dur2, jax.lax.bitcast_convert_type(mm_w, f32),
         jnp.zeros((B * N, _PAD_W - N_M - N_M // 4), f32)], axis=1)
    ridx = old_action.astype(i32) + jnp.arange(B, dtype=i32) * N
    rows = _sc_gather(table, ridx)
    action_node = rows[:, :N_M]
    mm_back = jax.lax.bitcast_convert_type(
        jax.lax.bitcast_convert_type(rows[:, N_M:N_M + N_M // 4], i32),
        jnp.int8).reshape(B, 1, N_M)
    return action_node, mm_back != 0


def _body(adj_ref, x_ref, gm_ref, idx_ref, maskf_ref,
          wd_ref, ws_ref,
          ent_ref, v_ref, loga_ref, afeat_ref, hpool_ref):
    f32 = jnp.float32
    bf16 = jnp.bfloat16

    def split2(v):
        hi = v.astype(bf16)
        return hi, (v - hi.astype(f32)).astype(bf16)

    def dot2(a, v):
        hi, lo = split2(v)
        return (jnp.dot(a, hi, preferred_element_type=f32)
                + jnp.dot(a, lo, preferred_element_type=f32))

    adjs = [adj_ref[g].astype(bf16) for g in range(G)]
    p0s = [dot2(adjs[g], x_ref[g][...]) for g in range(G)]
    p0 = jnp.concatenate(p0s, axis=1)

    t0 = jnp.maximum(jnp.dot(p0.astype(bf16), wd_ref[_WD01:_WD01 + 128, :],
                             preferred_element_type=f32)
                     + ws_ref[_B01:_B01 + 1, :], 0.0)
    h1 = jnp.maximum(jnp.dot(t0.astype(bf16), wd_ref[_WD02:_WD02 + 128, :],
                             preferred_element_type=f32)
                     + ws_ref[_B02:_B02 + 1, :], 0.0)

    p1s = [dot2(adjs[g], h1[:, g * H:(g + 1) * H]) for g in range(G)]
    p1 = jnp.concatenate(p1s, axis=1)
    t1 = jnp.maximum(jnp.dot(p1.astype(bf16), wd_ref[_WD11:_WD11 + 128, :],
                             preferred_element_type=f32)
                     + ws_ref[_B11:_B11 + 1, :], 0.0)
    h2 = jnp.maximum(jnp.dot(t1.astype(bf16), wd_ref[_WD12:_WD12 + 128, :],
                             preferred_element_type=f32)
                     + ws_ref[_B12:_B12 + 1, :], 0.0)

    for g in range(G):
        h2g = h2[:, g * H:(g + 1) * H]
        gp = gm_ref[g][:, 0:N]
        mch = gm_ref[g][:, N:N + H]
        h_pooled = jnp.dot(gp, h2g, preferred_element_type=f32)

        cand = idx_ref[g][0:N_J, :]
        iota_n = jax.lax.broadcasted_iota(jnp.int32, (N_J, N), 1)
        onehot = (iota_n == cand).astype(f32)
        cand_feat = jnp.dot(onehot, h2g, preferred_element_type=f32)

        a1 = jnp.tanh(
            jnp.dot(cand_feat, ws_ref[_A1C:_A1C + H, 0:H],
                    preferred_element_type=f32)
            + jnp.dot(h_pooled, ws_ref[_A1H:_A1H + H, 0:H],
                      preferred_element_type=f32)
            + jnp.dot(mch, ws_ref[_A1M:_A1M + H, 0:H],
                      preferred_element_type=f32)
            + ws_ref[_AB1:_AB1 + 1, 0:H])
        a2 = jnp.tanh(jnp.dot(a1, ws_ref[_AW2:_AW2 + H, 0:H],
                              preferred_element_type=f32)
                      + ws_ref[_AB2:_AB2 + 1, 0:H])
        ab3 = ws_ref[_MISC:_MISC + 1, 0:1]
        scores = (jnp.sum(a2 * ws_ref[_AW3:_AW3 + 1, 0:H], axis=1,
                          keepdims=True) + ab3) * 10.0
        scores = jnp.where(maskf_ref[g] > 0.5, _NEG_INF, scores)

        m = jnp.max(scores, axis=0, keepdims=True)
        e = jnp.exp(scores - m)
        z = jnp.sum(e, axis=0, keepdims=True)
        log_pi = scores - m - jnp.log(z)
        pi = jnp.exp(log_pi)
        ent_ref[g] = -jnp.sum(pi * log_pi, axis=0, keepdims=True)

        aidx = idx_ref[g][N_J:N_J + 1, :]
        iota_j = jax.lax.broadcasted_iota(jnp.int32, (N_J, 1), 0)
        oh_a = (iota_j == aidx).astype(f32)
        loga_ref[g] = jnp.sum(log_pi * oh_a, axis=0, keepdims=True)

        oa = idx_ref[g][N_J + 1:N_J + 2, :]
        iota_row = jax.lax.broadcasted_iota(jnp.int32, (1, N), 1)
        oh_o = (iota_row == oa).astype(f32)
        afeat_ref[g] = jnp.dot(oh_o, h2g, preferred_element_type=f32)

        c1 = jnp.tanh(jnp.dot(h_pooled, ws_ref[_CW1:_CW1 + H, 0:H],
                              preferred_element_type=f32)
                      + ws_ref[_CB1:_CB1 + 1, 0:H])
        cb2 = ws_ref[_MISC:_MISC + 1, 1:2]
        v_ref[g] = (jnp.sum(c1 * ws_ref[_CW2:_CW2 + 1, 0:H], axis=1,
                            keepdims=True) + cb2)
        hpool_ref[g] = h_pooled


def _b3(shape):
    return pl.BlockSpec((G,) + shape, lambda b: (b, 0, 0))


def _w(shape):
    return pl.BlockSpec(shape, lambda b: (0,) * len(shape))


def kernel(x, graph_pool, padded_nei, adj, candidate, mask, mask_mch, dur,
           a_index, old_action, mch_pool,
           gW01, gb01, gW02, gb02, gW11, gb11, gW12, gb12,
           aW1, ab1, aW2, ab2, aW3, ab3, cW1, cb1, cW2, cb2):
    f32 = jnp.float32
    bf16 = jnp.bfloat16
    i32 = jnp.int32

    anode, mma = _sc_action_rows(dur, mask_mch, old_action)

    zw = jnp.zeros((D, H), f32)

    def bd(w):
        return jnp.concatenate(
            [jnp.concatenate([w, zw], 1), jnp.concatenate([zw, w], 1)], 0)

    wd = jnp.concatenate(
        [bd(gW01), bd(gW02), bd(gW11), bd(gW12)], 0).astype(bf16)

    def pad128(w):
        return jnp.concatenate([w, jnp.zeros_like(w)], 1)

    def row128(vec64):
        return jnp.concatenate([vec64, jnp.zeros((H,), f32)])[None, :]

    misc = jnp.concatenate([ab3, cb2, jnp.zeros((126,), f32)])[None, :]
    ws = jnp.concatenate(
        [pad128(aW1), pad128(aW2), pad128(cW1),
         jnp.concatenate([gb01, gb01])[None, :],
         jnp.concatenate([gb02, gb02])[None, :],
         jnp.concatenate([gb11, gb11])[None, :],
         jnp.concatenate([gb12, gb12])[None, :],
         row128(ab1), row128(ab2), row128(cb1),
         row128(aW3[:, 0]), row128(cW2[:, 0]), misc], 0)

    gm = jnp.concatenate([graph_pool, mch_pool], axis=1)[:, None, :]
    idx_all = jnp.concatenate(
        [candidate.astype(i32), a_index.astype(i32)[:, None],
         old_action.astype(i32)[:, None]], axis=1)[:, :, None]
    maskf3 = mask.astype(f32)[:, :, None]

    out_shapes = (
        jax.ShapeDtypeStruct((B, 1, 1), f32),
        jax.ShapeDtypeStruct((B, 1, 1), f32),
        jax.ShapeDtypeStruct((B, 1, 1), f32),
        jax.ShapeDtypeStruct((B, 1, H), f32),
        jax.ShapeDtypeStruct((B, 1, H), f32),
    )
    in_specs = [
        _b3((N, N)),
        _b3((N, D)),
        _b3((1, N + H)),
        _b3((N_J + 2, 1)),
        _b3((N_J, 1)),
        _w((512, 128)),
        _w((330, 128)),
    ]
    out_specs = (
        _b3((1, 1)), _b3((1, 1)), _b3((1, 1)), _b3((1, H)), _b3((1, H)),
    )
    ent, v, loga, afeat, hpool = pl.pallas_call(
        _body,
        grid=(B // G,),
        in_specs=in_specs,
        out_specs=out_specs,
        out_shape=out_shapes,
        compiler_params=pltpu.CompilerParams(
            dimension_semantics=("arbitrary",)),
    )(adj, x, gm, idx_all, maskf3, wd, ws)

    return (ent.reshape(B), v.reshape(B, 1), loga.reshape(B),
            anode, afeat.reshape(B, H),
            mma, hpool.reshape(B, H))

# --- scband reference (transcript-rebuilt; emitter-appended) ---
"""Pipeline reference for scband-job-actor-61014305407240 (READ-ONLY COPY).

The authoritative reference and input builder live on the scoring server;
editing this copy changes nothing except your own understanding.
"""

import jax, jax.numpy as jnp
import numpy as np

B = 32
N_J = 50
N_M = 20
N = N_J * N_M
D = 64
H = 64


def _lin(k, fi, fo):
    return jax.random.normal(k, (fi, fo), jnp.float32) / np.sqrt(fi)


def setup_inputs(seed: int = 0):
    key = jax.random.key(seed)
    ks = jax.random.split(key, 24)
    inp = {}
    inp["x"] = jax.random.normal(ks[0], (B, N, D), jnp.float32)
    inp["graph_pool"] = jnp.ones((B, N), jnp.float32) / N  # average graph pooling weights
    inp["padded_nei"] = jnp.zeros((1,), jnp.int32)  # unused (only for max pooling)
    inp["adj"] = (jax.random.uniform(ks[1], (B, N, N)) < 0.032).astype(jnp.float32)  # sparse binary adjacency, avg degree ~32
    inp["candidate"] = jax.random.randint(ks[2], (B, N_J), 0, N)
    inp["mask"] = jnp.zeros((B, N_J), dtype=bool)
    inp["mask_mch"] = jnp.zeros((B, N, N_M), dtype=bool)
    inp["dur"] = jax.random.uniform(ks[3], (B, N, N_M), jnp.float32)
    inp["a_index"] = jax.random.randint(ks[4], (B,), 0, N_J)
    inp["old_action"] = jax.random.randint(ks[5], (B,), 0, N)
    inp["mch_pool"] = jax.random.normal(ks[6], (B, H), jnp.float32)
    # GraphCNN (GIN) MLP weights: 2 message-passing layers, each a 2-layer MLP
    inp["gW01"] = _lin(ks[7], D, H); inp["gb01"] = jnp.zeros((H,), jnp.float32)
    inp["gW02"] = _lin(ks[8], H, H); inp["gb02"] = jnp.zeros((H,), jnp.float32)
    inp["gW11"] = _lin(ks[9], H, H); inp["gb11"] = jnp.zeros((H,), jnp.float32)
    inp["gW12"] = _lin(ks[10], H, H); inp["gb12"] = jnp.zeros((H,), jnp.float32)
    # MLPActor(3, 3H, H, 1)
    inp["aW1"] = _lin(ks[11], 3 * H, H); inp["ab1"] = jnp.zeros((H,), jnp.float32)
    inp["aW2"] = _lin(ks[12], H, H); inp["ab2"] = jnp.zeros((H,), jnp.float32)
    inp["aW3"] = _lin(ks[13], H, 1); inp["ab3"] = jnp.zeros((1,), jnp.float32)
    # MLPCritic(2, H, H, 1)
    inp["cW1"] = _lin(ks[14], H, H); inp["cb1"] = jnp.zeros((H,), jnp.float32)
    inp["cW2"] = _lin(ks[15], H, 1); inp["cb2"] = jnp.zeros((1,), jnp.float32)
    return inp


def reference(x, graph_pool, padded_nei, adj, candidate, mask, mask_mch, dur,
              a_index, old_action, mch_pool,
              gW01, gb01, gW02, gb02, gW11, gb11, gW12, gb12,
              aW1, ab1, aW2, ab2, aW3, ab3, cW1, cb1, cW2, cb2):
    # Encoder / GraphCNN (GIN-style, sum neighbor pooling, num_layers-1 = 2 MP layers)
    h = x
    for (W1, b1, W2, b2) in ((gW01, gb01, gW02, gb02), (gW11, gb11, gW12, gb12)):
        pooled = jnp.einsum('bij,bjh->bih', adj, h)
        h = jax.nn.relu(jax.nn.relu(pooled @ W1 + b1) @ W2 + b2)
    h_nodes = h  # [B, N, H]
    h_pooled = jnp.einsum('bn,bnh->bh', graph_pool, h_nodes)  # [B, H]
    batch_node = h_nodes
    # candidate feature gather
    cidx = jnp.broadcast_to(candidate[:, :, None], (candidate.shape[0], candidate.shape[1], h_nodes.shape[-1]))
    candidate_feature = jnp.take_along_axis(h_nodes, cidx, axis=1)  # [B, n_j, H]
    h_rep = jnp.broadcast_to(h_pooled[:, None, :], candidate_feature.shape)
    mch_rep = jnp.broadcast_to(mch_pool[:, None, :], candidate_feature.shape)
    concat_fea = jnp.concatenate([candidate_feature, h_rep, mch_rep], axis=-1)
    # MLPActor (tanh activations)
    a1 = jnp.tanh(concat_fea @ aW1 + ab1)
    a2 = jnp.tanh(a1 @ aW2 + ab2)
    scores = (a2 @ aW3 + ab3)[..., 0] * 10.0  # old_policy=False branch: squeeze(-1)*10
    scores = jnp.where(mask, -jnp.inf, scores)
    log_pi = jax.nn.log_softmax(scores, axis=1)
    pi = jnp.exp(log_pi)
    log_a = jnp.take_along_axis(log_pi, a_index[:, None], axis=1)[:, 0]
    entropy = -jnp.sum(pi * log_pi, axis=1)
    action1 = old_action
    batch_x = dur.reshape(dur.shape[0], N_J * N_M, -1)
    mm = mask_mch.reshape(mask_mch.shape[0], -1, N_M)
    idx1 = action1[:, None, None]
    mask_mch_action = jnp.take_along_axis(mm, jnp.broadcast_to(idx1, (mm.shape[0], 1, mm.shape[2])), axis=1)
    action_feature = jnp.take_along_axis(batch_node, jnp.broadcast_to(idx1, (batch_node.shape[0], 1, batch_node.shape[2])), axis=1)[:, 0, :]
    action_node = jnp.take_along_axis(batch_x, jnp.broadcast_to(idx1, (batch_x.shape[0], 1, batch_x.shape[2])), axis=1)[:, 0, :]
    # MLPCritic
    v = jnp.tanh(h_pooled @ cW1 + cb1) @ cW2 + cb2
    return (entropy, v, log_a, action_node, action_feature, mask_mch_action, h_pooled)

if __name__ == "__main__":
    import jax
    _d = setup_inputs()
    print(jax.jit(kernel)(*tuple(_d.values())))

</pallas_src>

<mosaic_0001>
#map = affine_map<(d0, d1) -> (0, 0)>
#map1 = affine_map<(d0, d1) -> (0)>
module attributes {stable_mosaic.version = 14 : i64} {
  func.func @k(%arg0: i32, %arg1: i32, %arg2: memref<32000x32xf32, #tpu.memory_space<hbm>>, %arg3: memref<32xi32, #tpu.memory_space<hbm>>, %arg4: memref<32x32xf32, #tpu.memory_space<hbm>>, %arg5: memref<8xi32, #tpu.memory_space<vmem>>, %arg6: memref<8x32xf32, #tpu.memory_space<vmem>>, %arg7: memref<!tpu.dma_semaphore, #tpu.memory_space<semaphore_mem>>) attributes {dimension_semantics = [#tpu.dimension_semantics<core_parallel>, #tpu.dimension_semantics<subcore_parallel>], iteration_bounds = array<i64: 2, 16>, scalar_prefetch = 0 : i64, scratch_operands = 3 : i64, tpu.core_type = #tpu.core_type<sc_vector_subcore>, window_params = [{transform_indices = #map}, {transform_indices = #map1}, {transform_indices = #map}]} {
    %mul3A = arith.constant 2 : i32
    %mul3A_0 = arith.muli %arg1, %mul3A : i32
    %add3A = arith.addi %mul3A_0, %arg0 : i32
    %lt3A = arith.constant 4 : i32
    %lt3A_1 = arith.cmpi slt, %add3A, %lt3A : i32
    %convert_element_type3A = arith.extui %lt3A_1 : i1 to i32
    %cond3A = arith.constant 0 : i32
    %cond3A_2 = arith.cmpi ne, %convert_element_type3A, %cond3A : i32
    scf.if %cond3A_2 {
      %mul3A_3 = arith.constant 8 : i32
      %mul3A_4 = arith.muli %add3A, %mul3A_3 : i32
      "tpu.region"() ({
        %run_scoped3A = tpu.sem_alloc : memref<!tpu.dma_semaphore, #tpu.memory_space<semaphore_mem>>
        %dma_start3A_9 = tpu.memref_slice %arg3[%mul3A_4] : memref<32xi32, #tpu.memory_space<hbm>> -> memref<8xi32, #tpu.memory_space<hbm>>
        %dma_start3A_10 = tpu.memref_slice %arg3[%mul3A_4] : memref<32xi32, #tpu.memory_space<hbm>> -> memref<8xi32, #tpu.memory_space<hbm>>
        tpu.enqueue_dma source(%dma_start3A_10 : memref<8xi32, #tpu.memory_space<hbm>>) target(%arg5 : memref<8xi32, #tpu.memory_space<vmem>>) target_semaphore(%run_scoped3A : memref<!tpu.dma_semaphore, #tpu.memory_space<semaphore_mem>>)
        %dma_wait3A_11 = tpu.memref_slice %arg3[%mul3A_4] : memref<32xi32, #tpu.memory_space<hbm>> -> memref<8xi32, #tpu.memory_space<hbm>>
        %dma_wait3A_12 = tpu.memref_slice %arg3[%mul3A_4] : memref<32xi32, #tpu.memory_space<hbm>> -> memref<8xi32, #tpu.memory_space<hbm>>
        tpu.wait_dma2 semaphore(%run_scoped3A : memref<!tpu.dma_semaphore, #tpu.memory_space<semaphore_mem>>) src(%dma_wait3A_12 : memref<8xi32, #tpu.memory_space<hbm>>) dst(%arg5 : memref<8xi32, #tpu.memory_space<vmem>>)
        tpu.yield
      }) : () -> ()
      %dma_start3A = arith.constant 0 : i32
      %dma_start3A_5 = arith.constant 0 : i32
      %dma_start3A_6 = tpu.memref_slice %arg2[%dma_start3A, %dma_start3A_5] : memref<32000x32xf32, #tpu.memory_space<hbm>> -> memref<32000x32xf32, #tpu.memory_space<hbm>>
      tpu.enqueue_indirect_dma source(%dma_start3A_6 : memref<32000x32xf32, #tpu.memory_space<hbm>>) target(%arg6 : memref<8x32xf32, #tpu.memory_space<vmem>>) offsets(%arg5 : memref<8xi32, #tpu.memory_space<vmem>>) semaphore(%arg7 : memref<!tpu.dma_semaphore, #tpu.memory_space<semaphore_mem>>)
      %dma_wait3A = arith.constant 0 : i32
      %dma_wait3A_7 = arith.constant 0 : i32
      %dma_wait3A_8 = tpu.memref_slice %arg2[%dma_wait3A, %dma_wait3A_7] : memref<32000x32xf32, #tpu.memory_space<hbm>> -> memref<32000x32xf32, #tpu.memory_space<hbm>>
      tpu.wait_indirect_dma semaphore(%arg7 : memref<!tpu.dma_semaphore, #tpu.memory_space<semaphore_mem>>) src(%dma_wait3A_8 : memref<32000x32xf32, #tpu.memory_space<hbm>>) dst(%arg6 : memref<8x32xf32, #tpu.memory_space<vmem>>)
      "tpu.region"() ({
        %run_scoped3A = tpu.sem_alloc : memref<!tpu.dma_semaphore, #tpu.memory_space<semaphore_mem>>
        %dma_start3A_9 = arith.constant 0 : i32
        %dma_start3A_10 = tpu.memref_slice %arg4[%mul3A_4, %dma_start3A_9] : memref<32x32xf32, #tpu.memory_space<hbm>> -> memref<8x32xf32, #tpu.memory_space<hbm>>
        %dma_start3A_11 = arith.constant 0 : i32
        %dma_start3A_12 = tpu.memref_slice %arg4[%mul3A_4, %dma_start3A_11] : memref<32x32xf32, #tpu.memory_space<hbm>> -> memref<8x32xf32, #tpu.memory_space<hbm>>
        tpu.enqueue_dma source(%arg6 : memref<8x32xf32, #tpu.memory_space<vmem>>) target(%dma_start3A_12 : memref<8x32xf32, #tpu.memory_space<hbm>>) target_semaphore(%run_scoped3A : memref<!tpu.dma_semaphore, #tpu.memory_space<semaphore_mem>>)
        %dma_wait3A_13 = arith.constant 0 : i32
        %dma_wait3A_14 = tpu.memref_slice %arg4[%mul3A_4, %dma_wait3A_13] : memref<32x32xf32, #tpu.memory_space<hbm>> -> memref<8x32xf32, #tpu.memory_space<hbm>>
        %dma_wait3A_15 = arith.constant 0 : i32
        %dma_wait3A_16 = tpu.memref_slice %arg4[%mul3A_4, %dma_wait3A_15] : memref<32x32xf32, #tpu.memory_space<hbm>> -> memref<8x32xf32, #tpu.memory_space<hbm>>
        tpu.wait_dma2 semaphore(%run_scoped3A : memref<!tpu.dma_semaphore, #tpu.memory_space<semaphore_mem>>) src(%arg6 : memref<8x32xf32, #tpu.memory_space<vmem>>) dst(%dma_wait3A_16 : memref<8x32xf32, #tpu.memory_space<hbm>>)
        tpu.yield
      }) : () -> ()
    } else {
    }
    return
  }
}

module attributes {stable_mosaic.version = 14 : i64} {
  func.func @_body(%arg0: i32, %arg1: memref<2x1000x1000xf32, #tpu.memory_space<vmem>>, %arg2: memref<2x1000x64xf32, #tpu.memory_space<vmem>>, %arg3: memref<2x1x1064xf32, #tpu.memory_space<vmem>>, %arg4: memref<2x52x1xi32, #tpu.memory_space<vmem>>, %arg5: memref<2x50x1xf32, #tpu.memory_space<vmem>>, %arg6: memref<512x128xbf16, #tpu.memory_space<vmem>>, %arg7: memref<330x128xf32, #tpu.memory_space<vmem>>, %arg8: memref<2x1x1xf32, #tpu.memory_space<vmem>>, %arg9: memref<2x1x1xf32, #tpu.memory_space<vmem>>, %arg10: memref<2x1x1xf32, #tpu.memory_space<vmem>>, %arg11: memref<2x1x64xf32, #tpu.memory_space<vmem>>, %arg12: memref<2x1x64xf32, #tpu.memory_space<vmem>>) attributes {dimension_semantics = [#tpu.dimension_semantics<arbitrary>], iteration_bounds = array<i64: 16>, scalar_prefetch = 0 : i64, scratch_operands = 0 : i64, tpu.core_type = #tpu.core_type<tc>, window_params = [{transform_indices = @transform_0, window_bounds = array<i64: 2, 1000, 1000>}, {transform_indices = @transform_1, window_bounds = array<i64: 2, 1000, 64>}, {transform_indices = @transform_2, window_bounds = array<i64: 2, 1, 1064>}, {transform_indices = @transform_3, window_bounds = array<i64: 2, 52, 1>}, {transform_indices = @transform_4, window_bounds = array<i64: 2, 50, 1>}, {pipeline_mode = #tpu.pipeline_mode<synchronous>, transform_indices = @transform_5, window_bounds = array<i64: 512, 128>}, {pipeline_mode = #tpu.pipeline_mode<synchronous>, transform_indices = @transform_6, window_bounds = array<i64: 330, 128>}, {transform_indices = @transform_7, window_bounds = array<i64: 2, 1, 1>}, {transform_indices = @transform_8, window_bounds = array<i64: 2, 1, 1>}, {transform_indices = @transform_9, window_bounds = array<i64: 2, 1, 1>}, {transform_indices = @transform_10, window_bounds = array<i64: 2, 1, 64>}, {transform_indices = @transform_11, window_bounds = array<i64: 2, 1, 64>}]} {
    %get3A = arith.constant 0 : index
    %get3A_0 = arith.constant 0 : index
    %get3A_1 = arith.constant 0 : index
    %get3A_2 = vector.load %arg1[%get3A, %get3A_0, %get3A_1] : memref<2x1000x1000xf32, #tpu.memory_space<vmem>>, vector<1x1000x1000xf32>
    %get3A_3 = vector.shape_cast %get3A_2 : vector<1x1000x1000xf32> to vector<1000x1000xf32>
    %convert_element_type3A = arith.truncf %get3A_3 : vector<1000x1000xf32> to vector<1000x1000xbf16>
    %get3A_4 = arith.constant 1 : index
    %get3A_5 = arith.constant 0 : index
    %get3A_6 = arith.constant 0 : index
    %get3A_7 = vector.load %arg1[%get3A_4, %get3A_5, %get3A_6] : memref<2x1000x1000xf32, #tpu.memory_space<vmem>>, vector<1x1000x1000xf32>
    %get3A_8 = vector.shape_cast %get3A_7 : vector<1x1000x1000xf32> to vector<1000x1000xf32>
    %convert_element_type3A_9 = arith.truncf %get3A_8 : vector<1000x1000xf32> to vector<1000x1000xbf16>
    %get3A_10 = arith.constant 0 : index
    %get3A_11 = arith.constant 0 : index
    %get3A_12 = arith.constant 0 : index
    %get3A_13 = vector.load %arg2[%get3A_10, %get3A_11, %get3A_12] : memref<2x1000x64xf32, #tpu.memory_space<vmem>>, vector<1x1000x64xf32>
    %get3A_14 = vector.shape_cast %get3A_13 : vector<1x1000x64xf32> to vector<1000x64xf32>
    %convert_element_type3A_15 = arith.truncf %get3A_14 : vector<1000x64xf32> to vector<1000x64xbf16>
    %convert_element_type3A_16 = arith.extf %convert_element_type3A_15 : vector<1000x64xbf16> to vector<1000x64xf32>
    %sub3A = arith.subf %get3A_14, %convert_element_type3A_16 : vector<1000x64xf32>
    %convert_element_type3A_17 = arith.truncf %sub3A : vector<1000x64xf32> to vector<1000x64xbf16>
    %dot_general3A = arith.constant dense<0.000000e+00> : vector<1000x64xf32>
    %dot_general3A_18 = tpu.matmul %convert_element_type3A, %convert_element_type3A_15, %dot_general3A {dimension_numbers = #tpu.dot_dimension_numbers<[1], [0], [0], [1], [0, 0, 1, 1], [], []>, transpose_lhs_hint = false} : vector<1000x1000xbf16>, vector<1000x64xbf16>, vector<1000x64xf32> -> vector<1000x64xf32>
    %dot_general3A_19 = arith.constant dense<0.000000e+00> : vector<1000x64xf32>
    %dot_general3A_20 = tpu.matmul %convert_element_type3A, %convert_element_type3A_17, %dot_general3A_19 {dimension_numbers = #tpu.dot_dimension_numbers<[1], [0], [0], [1], [0, 0, 1, 1], [], []>, transpose_lhs_hint = false} : vector<1000x1000xbf16>, vector<1000x64xbf16>, vector<1000x64xf32> -> vector<1000x64xf32>
    %add3A = arith.addf %dot_general3A_18, %dot_general3A_20 : vector<1000x64xf32>
    %get3A_21 = arith.constant 1 : index
    %get3A_22 = arith.constant 0 : index
    %get3A_23 = arith.constant 0 : index
    %get3A_24 = vector.load %arg2[%get3A_21, %get3A_22, %get3A_23] : memref<2x1000x64xf32, #tpu.memory_space<vmem>>, vector<1x1000x64xf32>
    %get3A_25 = vector.shape_cast %get3A_24 : vector<1x1000x64xf32> to vector<1000x64xf32>
    %convert_element_type3A_26 = arith.truncf %get3A_25 : vector<1000x64xf32> to vector<1000x64xbf16>
    %convert_element_type3A_27 = arith.extf %convert_element_type3A_26 : vector<1000x64xbf16> to vector<1000x64xf32>
    %sub3A_28 = arith.subf %get3A_25, %convert_element_type3A_27 : vector<1000x64xf32>
    %convert_element_type3A_29 = arith.truncf %sub3A_28 : vector<1000x64xf32> to vector<1000x64xbf16>
    %dot_general3A_30 = arith.constant dense<0.000000e+00> : vector<1000x64xf32>
    %dot_general3A_31 = tpu.matmul %convert_element_type3A_9, %convert_element_type3A_26, %dot_general3A_30 {dimension_numbers = #tpu.dot_dimension_numbers<[1], [0], [0], [1], [0, 0, 1, 1], [], []>, transpose_lhs_hint = false} : vector<1000x1000xbf16>, vector<1000x64xbf16>, vector<1000x64xf32> -> vector<1000x64xf32>
    %dot_general3A_32 = arith.constant dense<0.000000e+00> : vector<1000x64xf32>
    %dot_general3A_33 = tpu.matmul %convert_element_type3A_9, %convert_element_type3A_29, %dot_general3A_32 {dimension_numbers = #tpu.dot_dimension_numbers<[1], [0], [0], [1], [0, 0, 1, 1], [], []>, transpose_lhs_hint = false} : vector<1000x1000xbf16>, vector<1000x64xbf16>, vector<1000x64xf32> -> vector<1000x64xf32>
    %add3A_34 = arith.addf %dot_general3A_31, %dot_general3A_33 : vector<1000x64xf32>
    %concatenate3A = tpu.concatenate %add3A, %add3A_34 in 1 : vector<1000x64xf32>, vector<1000x64xf32> -> vector<1000x128xf32>
    %convert_element_type3A_35 = arith.truncf %concatenate3A : vector<1000x128xf32> to vector<1000x128xbf16>
    %get3A_36 = arith.constant 0 : index
    %get3A_37 = arith.constant 0 : index
    %get3A_38 = vector.load %arg6[%get3A_36, %get3A_37] : memref<512x128xbf16, #tpu.memory_space<vmem>>, vector<128x128xbf16>
    %dot_general3A_39 = arith.constant dense<0.000000e+00> : vector<1000x128xf32>
    %dot_general3A_40 = tpu.matmul %convert_element_type3A_35, %get3A_38, %dot_general3A_39 {dimension_numbers = #tpu.dot_dimension_numbers<[1], [0], [0], [1], [0, 0, 1, 1], [], []>, transpose_lhs_hint = false} : vector<1000x128xbf16>, vector<128x128xbf16>, vector<1000x128xf32> -> vector<1000x128xf32>
    %get3A_41 = arith.constant 320 : index
    %get3A_42 = arith.constant 0 : index
    %get3A_43 = vector.load %arg7[%get3A_41, %get3A_42] : memref<330x128xf32, #tpu.memory_space<vmem>>, vector<1x128xf32>
    %add3A_44 = vector.broadcast %get3A_43 : vector<1x128xf32> to vector<1000x128xf32>
    %add3A_45 = arith.addf %dot_general3A_40, %add3A_44 : vector<1000x128xf32>
    %max3A = arith.constant 0.000000e+00 : f32
    %max3A_46 = vector.broadcast %max3A : f32 to vector<1000x128xf32>
    %max3A_47 = arith.maximumf %add3A_45, %max3A_46 : vector<1000x128xf32>
    %convert_element_type3A_48 = arith.truncf %max3A_47 : vector<1000x128xf32> to vector<1000x128xbf16>
    %get3A_49 = arith.constant 128 : index
    %get3A_50 = arith.constant 0 : index
    %get3A_51 = vector.load %arg6[%get3A_49, %get3A_50] : memref<512x128xbf16, #tpu.memory_space<vmem>>, vector<128x128xbf16>
    %dot_general3A_52 = arith.constant dense<0.000000e+00> : vector<1000x128xf32>
    %dot_general3A_53 = tpu.matmul %convert_element_type3A_48, %get3A_51, %dot_general3A_52 {dimension_numbers = #tpu.dot_dimension_numbers<[1], [0], [0], [1], [0, 0, 1, 1], [], []>, transpose_lhs_hint = false} : vector<1000x128xbf16>, vector<128x128xbf16>, vector<1000x128xf32> -> vector<1000x128xf32>
    %get3A_54 = arith.constant 321 : index
    %get3A_55 = arith.constant 0 : index
    %get3A_56 = vector.load %arg7[%get3A_54, %get3A_55] : memref<330x128xf32, #tpu.memory_space<vmem>>, vector<1x128xf32>
    %add3A_57 = vector.broadcast %get3A_56 : vector<1x128xf32> to vector<1000x128xf32>
    %add3A_58 = arith.addf %dot_general3A_53, %add3A_57 : vector<1000x128xf32>
    %max3A_59 = arith.constant 0.000000e+00 : f32
    %max3A_60 = vector.broadcast %max3A_59 : f32 to vector<1000x128xf32>
    %max3A_61 = arith.maximumf %add3A_58, %max3A_60 : vector<1000x128xf32>
    %slice3A = vector.extract_strided_slice %max3A_61 {offsets = [0, 0], sizes = [1000, 64], strides = [1, 1]} : vector<1000x128xf32> to vector<1000x64xf32>
    %convert_element_type3A_62 = arith.truncf %slice3A : vector<1000x64xf32> to vector<1000x64xbf16>
    %convert_element_type3A_63 = arith.extf %convert_element_type3A_62 : vector<1000x64xbf16> to vector<1000x64xf32>
    %sub3A_64 = arith.subf %slice3A, %convert_element_type3A_63 : vector<1000x64xf32>
    %convert_element_type3A_65 = arith.truncf %sub3A_64 : vector<1000x64xf32> to vector<1000x64xbf16>
    %dot_general3A_66 = arith.constant dense<0.000000e+00> : vector<1000x64xf32>
    %dot_general3A_67 = tpu.matmul %convert_element_type3A, %convert_element_type3A_62, %dot_general3A_66 {dimension_numbers = #tpu.dot_dimension_numbers<[1], [0], [0], [1], [0, 0, 1, 1], [], []>, transpose_lhs_hint = false} : vector<1000x1000xbf16>, vector<1000x64xbf16>, vector<1000x64xf32> -> vector<1000x64xf32>
    %dot_general3A_68 = arith.constant dense<0.000000e+00> : vector<1000x64xf32>
    %dot_general3A_69 = tpu.matmul %convert_element_type3A, %convert_element_type3A_65, %dot_general3A_68 {dimension_numbers = #tpu.dot_dimension_numbers<[1], [0], [0], [1], [0, 0, 1, 1], [], []>, transpose_lhs_hint = false} : vector<1000x1000xbf16>, vector<1000x64xbf16>, vector<1000x64xf32> -> vector<1000x64xf32>
    %add3A_70 = arith.addf %dot_general3A_67, %dot_general3A_69 : vector<1000x64xf32>
    %slice3A_71 = vector.extract_strided_slice %max3A_61 {offsets = [0, 64], sizes = [1000, 64], strides = [1, 1]} : vector<1000x128xf32> to vector<1000x64xf32>
    %convert_element_type3A_72 = arith.truncf %slice3A_71 : vector<1000x64xf32> to vector<1000x64xbf16>
    %convert_element_type3A_73 = arith.extf %convert_element_type3A_72 : vector<1000x64xbf16> to vector<1000x64xf32>
    %sub3A_74 = arith.subf %slice3A_71, %convert_element_type3A_73 : vector<1000x64xf32>
    %convert_element_type3A_75 = arith.truncf %sub3A_74 : vector<1000x64xf32> to vector<1000x64xbf16>
    %dot_general3A_76 = arith.constant dense<0.000000e+00> : vector<1000x64xf32>
    %dot_general3A_77 = tpu.matmul %convert_element_type3A_9, %convert_element_type3A_72, %dot_general3A_76 {dimension_numbers = #tpu.dot_dimension_numbers<[1], [0], [0], [1], [0, 0, 1, 1], [], []>, transpose_lhs_hint = false} : vector<1000x1000xbf16>, vector<1000x64xbf16>, vector<1000x64xf32> -> vector<1000x64xf32>
    %dot_general3A_78 = arith.constant dense<0.000000e+00> : vector<1000x64xf32>
    %dot_general3A_79 = tpu.matmul %convert_element_type3A_9, %convert_element_type3A_75, %dot_general3A_78 {dimension_numbers = #tpu.dot_dimension_numbers<[1], [0], [0], [1], [0, 0, 1, 1], [], []>, transpose_lhs_hint = false} : vector<1000x1000xbf16>, vector<1000x64xbf16>, vector<1000x64xf32> -> vector<1000x64xf32>
    %add3A_80 = arith.addf %dot_general3A_77, %dot_general3A_79 : vector<1000x64xf32>
    %concatenate3A_81 = tpu.concatenate %add3A_70, %add3A_80 in 1 : vector<1000x64xf32>, vector<1000x64xf32> -> vector<1000x128xf32>
    %convert_element_type3A_82 = arith.truncf %concatenate3A_81 : vector<1000x128xf32> to vector<1000x128xbf16>
    %get3A_83 = arith.constant 256 : index
    %get3A_84 = arith.constant 0 : index
    %get3A_85 = vector.load %arg6[%get3A_83, %get3A_84] : memref<512x128xbf16, #tpu.memory_space<vmem>>, vector<128x128xbf16>
    %dot_general3A_86 = arith.constant dense<0.000000e+00> : vector<1000x128xf32>
    %dot_general3A_87 = tpu.matmul %convert_element_type3A_82, %get3A_85, %dot_general3A_86 {dimension_numbers = #tpu.dot_dimension_numbers<[1], [0], [0], [1], [0, 0, 1, 1], [], []>, transpose_lhs_hint = false} : vector<1000x128xbf16>, vector<128x128xbf16>, vector<1000x128xf32> -> vector<1000x128xf32>
    %get3A_88 = arith.constant 322 : index
    %get3A_89 = arith.constant 0 : index
    %get3A_90 = vector.load %arg7[%get3A_88, %get3A_89] : memref<330x128xf32, #tpu.memory_space<vmem>>, vector<1x128xf32>
    %add3A_91 = vector.broadcast %get3A_90 : vector<1x128xf32> to vector<1000x128xf32>
    %add3A_92 = arith.addf %dot_general3A_87, %add3A_91 : vector<1000x128xf32>
    %max3A_93 = arith.constant 0.000000e+00 : f32
    %max3A_94 = vector.broadcast %max3A_93 : f32 to vector<1000x128xf32>
    %max3A_95 = arith.maximumf %add3A_92, %max3A_94 : vector<1000x128xf32>
    %convert_element_type3A_96 = arith.truncf %max3A_95 : vector<1000x128xf32> to vector<1000x128xbf16>
    %get3A_97 = arith.constant 384 : index
    %get3A_98 = arith.constant 0 : index
    %get3A_99 = vector.load %arg6[%get3A_97, %get3A_98] : memref<512x128xbf16, #tpu.memory_space<vmem>>, vector<128x128xbf16>
    %dot_general3A_100 = arith.constant dense<0.000000e+00> : vector<1000x128xf32>
    %dot_general3A_101 = tpu.matmul %convert_element_type3A_96, %get3A_99, %dot_general3A_100 {dimension_numbers = #tpu.dot_dimension_numbers<[1], [0], [0], [1], [0, 0, 1, 1], [], []>, transpose_lhs_hint = false} : vector<1000x128xbf16>, vector<128x128xbf16>, vector<1000x128xf32> -> vector<1000x128xf32>
    %get3A_102 = arith.constant 323 : index
    %get3A_103 = arith.constant 0 : index
    %get3A_104 = vector.load %arg7[%get3A_102, %get3A_103] : memref<330x128xf32, #tpu.memory_space<vmem>>, vector<1x128xf32>
    %add3A_105 = vector.broadcast %get3A_104 : vector<1x128xf32> to vector<1000x128xf32>
    %add3A_106 = arith.addf %dot_general3A_101, %add3A_105 : vector<1000x128xf32>
    %max3A_107 = arith.constant 0.000000e+00 : f32
    %max3A_108 = vector.broadcast %max3A_107 : f32 to vector<1000x128xf32>
    %max3A_109 = arith.maximumf %add3A_106, %max3A_108 : vector<1000x128xf32>
    %slice3A_110 = vector.extract_strided_slice %max3A_109 {offsets = [0, 0], sizes = [1000, 64], strides = [1, 1]} : vector<1000x128xf32> to vector<1000x64xf32>
    %get3A_111 = arith.constant 0 : index
    %get3A_112 = arith.constant 0 : index
    %get3A_113 = arith.constant 0 : index
    %get3A_114 = vector.load %arg3[%get3A_111, %get3A_112, %get3A_113] : memref<2x1x1064xf32, #tpu.memory_space<vmem>>, vector<1x1x1064xf32>
    %get3A_115 = vector.shape_cast %get3A_114 : vector<1x1x1064xf32> to vector<1x1064xf32>
    %slice3A_116 = vector.extract_strided_slice %get3A_115 {offsets = [0, 0], sizes = [1, 1000], strides = [1, 1]} : vector<1x1064xf32> to vector<1x1000xf32>
    %get3A_117 = arith.constant 0 : index
    %get3A_118 = arith.constant 0 : index
    %get3A_119 = arith.constant 0 : index
    %get3A_120 = vector.load %arg3[%get3A_117, %get3A_118, %get3A_119] : memref<2x1x1064xf32, #tpu.memory_space<vmem>>, vector<1x1x1064xf32>
    %get3A_121 = vector.shape_cast %get3A_120 : vector<1x1x1064xf32> to vector<1x1064xf32>
    %slice3A_122 = vector.extract_strided_slice %get3A_121 {offsets = [0, 1000], sizes = [1, 64], strides = [1, 1]} : vector<1x1064xf32> to vector<1x64xf32>
    %dot_general3A_123 = arith.constant dense<0.000000e+00> : vector<1x64xf32>
    %dot_general3A_124 = tpu.matmul %slice3A_116, %slice3A_110, %dot_general3A_123 {dimension_numbers = #tpu.dot_dimension_numbers<[1], [0], [0], [1], [0, 0, 1, 1], [], []>, transpose_lhs_hint = false} : vector<1x1000xf32>, vector<1000x64xf32>, vector<1x64xf32> -> vector<1x64xf32>
    %get3A_125 = arith.constant 0 : index
    %get3A_126 = arith.constant 0 : index
    %get3A_127 = arith.constant 0 : index
    %get3A_128 = vector.load %arg4[%get3A_125, %get3A_126, %get3A_127] : memref<2x52x1xi32, #tpu.memory_space<vmem>>, vector<1x52x1xi32>
    %get3A_129 = vector.shape_cast %get3A_128 : vector<1x52x1xi32> to vector<52x1xi32>
    %slice3A_130 = vector.extract_strided_slice %get3A_129 {offsets = [0, 0], sizes = [50, 1], strides = [1, 1]} : vector<52x1xi32> to vector<50x1xi32>
    %iota3A = tpu.iota {dimensions = array<i32: 1>} : vector<50x1000xi32>
    %eq3A = vector.broadcast %slice3A_130 : vector<50x1xi32> to vector<50x1000xi32>
    %eq3A_131 = arith.cmpi eq, %iota3A, %eq3A : vector<50x1000xi32>
    %convert_element_type3A_132 = arith.extui %eq3A_131 : vector<50x1000xi1> to vector<50x1000xi32>
    %convert_element_type3A_133 = arith.sitofp %convert_element_type3A_132 : vector<50x1000xi32> to vector<50x1000xf32>
    %dot_general3A_134 = arith.constant dense<0.000000e+00> : vector<50x64xf32>
    %dot_general3A_135 = tpu.matmul %convert_element_type3A_133, %slice3A_110, %dot_general3A_134 {dimension_numbers = #tpu.dot_dimension_numbers<[1], [0], [0], [1], [0, 0, 1, 1], [], []>, transpose_lhs_hint = false} : vector<50x1000xf32>, vector<1000x64xf32>, vector<50x64xf32> -> vector<50x64xf32>
    %get3A_136 = arith.constant 0 : index
    %get3A_137 = arith.constant 0 : index
    %get3A_138 = vector.load %arg7[%get3A_136, %get3A_137] : memref<330x128xf32, #tpu.memory_space<vmem>>, vector<64x64xf32>
    %dot_general3A_139 = arith.constant dense<0.000000e+00> : vector<50x64xf32>
    %dot_general3A_140 = tpu.matmul %dot_general3A_135, %get3A_138, %dot_general3A_139 {dimension_numbers = #tpu.dot_dimension_numbers<[1], [0], [0], [1], [0, 0, 1, 1], [], []>, transpose_lhs_hint = false} : vector<50x64xf32>, vector<64x64xf32>, vector<50x64xf32> -> vector<50x64xf32>
    %get3A_141 = arith.constant 64 : index
    %get3A_142 = arith.constant 0 : index
    %get3A_143 = vector.load %arg7[%get3A_141, %get3A_142] : memref<330x128xf32, #tpu.memory_space<vmem>>, vector<64x64xf32>
    %dot_general3A_144 = arith.constant dense<0.000000e+00> : vector<1x64xf32>
    %dot_general3A_145 = tpu.matmul %dot_general3A_124, %get3A_143, %dot_general3A_144 {dimension_numbers = #tpu.dot_dimension_numbers<[1], [0], [0], [1], [0, 0, 1, 1], [], []>, transpose_lhs_hint = false} : vector<1x64xf32>, vector<64x64xf32>, vector<1x64xf32> -> vector<1x64xf32>
    %add3A_146 = vector.broadcast %dot_general3A_145 : vector<1x64xf32> to vector<50x64xf32>
    %add3A_147 = arith.addf %dot_general3A_140, %add3A_146 : vector<50x64xf32>
    %get3A_148 = arith.constant 128 : index
    %get3A_149 = arith.constant 0 : index
    %get3A_150 = vector.load %arg7[%get3A_148, %get3A_149] : memref<330x128xf32, #tpu.memory_space<vmem>>, vector<64x64xf32>
    %dot_general3A_151 = arith.constant dense<0.000000e+00> : vector<1x64xf32>
    %dot_general3A_152 = tpu.matmul %slice3A_122, %get3A_150, %dot_general3A_151 {dimension_numbers = #tpu.dot_dimension_numbers<[1], [0], [0], [1], [0, 0, 1, 1], [], []>, transpose_lhs_hint = false} : vector<1x64xf32>, vector<64x64xf32>, vector<1x64xf32> -> vector<1x64xf32>
    %add3A_153 = vector.broadcast %dot_general3A_152 : vector<1x64xf32> to vector<50x64xf32>
    %add3A_154 = arith.addf %add3A_147, %add3A_153 : vector<50x64xf32>
    %get3A_155 = arith.constant 324 : index
    %get3A_156 = arith.constant 0 : index
    %get3A_157 = vector.load %arg7[%get3A_155, %get3A_156] : memref<330x128xf32, #tpu.memory_space<vmem>>, vector<1x64xf32>
    %add3A_158 = vector.broadcast %get3A_157 : vector<1x64xf32> to vector<50x64xf32>
    %add3A_159 = arith.addf %add3A_154, %add3A_158 : vector<50x64xf32>
    %tanh3A = math.tanh %add3A_159 : vector<50x64xf32>
    %get3A_160 = arith.constant 192 : index
    %get3A_161 = arith.constant 0 : index
    %get3A_162 = vector.load %arg7[%get3A_160, %get3A_161] : memref<330x128xf32, #tpu.memory_space<vmem>>, vector<64x64xf32>
    %dot_general3A_163 = arith.constant dense<0.000000e+00> : vector<50x64xf32>
    %dot_general3A_164 = tpu.matmul %tanh3A, %get3A_162, %dot_general3A_163 {dimension_numbers = #tpu.dot_dimension_numbers<[1], [0], [0], [1], [0, 0, 1, 1], [], []>, transpose_lhs_hint = false} : vector<50x64xf32>, vector<64x64xf32>, vector<50x64xf32> -> vector<50x64xf32>
    %get3A_165 = arith.constant 325 : index
    %get3A_166 = arith.constant 0 : index
    %get3A_167 = vector.load %arg7[%get3A_165, %get3A_166] : memref<330x128xf32, #tpu.memory_space<vmem>>, vector<1x64xf32>
    %add3A_168 = vector.broadcast %get3A_167 : vector<1x64xf32> to vector<50x64xf32>
    %add3A_169 = arith.addf %dot_general3A_164, %add3A_168 : vector<50x64xf32>
    %tanh3A_170 = math.tanh %add3A_169 : vector<50x64xf32>
    %get3A_171 = arith.constant 329 : index
    %get3A_172 = arith.constant 0 : index
    %get3A_173 = vector.load %arg7[%get3A_171, %get3A_172] : memref<330x128xf32, #tpu.memory_space<vmem>>, vector<1x1xf32>
    %get3A_174 = arith.constant 327 : index
    %get3A_175 = arith.constant 0 : index
    %get3A_176 = vector.load %arg7[%get3A_174, %get3A_175] : memref<330x128xf32, #tpu.memory_space<vmem>>, vector<1x64xf32>
    %mul3A = vector.broadcast %get3A_176 : vector<1x64xf32> to vector<50x64xf32>
    %mul3A_177 = arith.mulf %tanh3A_170, %mul3A : vector<50x64xf32>
    %reduce_sum3A = arith.constant dense<0.000000e+00> : vector<50xf32>
    %reduce_sum3A_178 = vector.multi_reduction <add>, %mul3A_177, %reduce_sum3A [1] : vector<50x64xf32> to vector<50xf32>
    %broadcast_in_dim3A = vector.shape_cast %reduce_sum3A_178 : vector<50xf32> to vector<50x1xf32>
    %add3A_179 = vector.broadcast %get3A_173 : vector<1x1xf32> to vector<50x1xf32>
    %add3A_180 = arith.addf %broadcast_in_dim3A, %add3A_179 : vector<50x1xf32>
    %mul3A_181 = arith.constant 1.000000e+01 : f32
    %mul3A_182 = vector.broadcast %mul3A_181 : f32 to vector<50x1xf32>
    %mul3A_183 = arith.mulf %add3A_180, %mul3A_182 : vector<50x1xf32>
    %get3A_184 = arith.constant 0 : index
    %get3A_185 = arith.constant 0 : index
    %get3A_186 = arith.constant 0 : index
    %get3A_187 = vector.load %arg5[%get3A_184, %get3A_185, %get3A_186] : memref<2x50x1xf32, #tpu.memory_space<vmem>>, vector<1x50x1xf32>
    %get3A_188 = vector.shape_cast %get3A_187 : vector<1x50x1xf32> to vector<50x1xf32>
    %gt3A = arith.constant 5.000000e-01 : f32
    %gt3A_189 = vector.broadcast %gt3A : f32 to vector<50x1xf32>
    %gt3A_190 = arith.cmpf ogt, %get3A_188, %gt3A_189 : vector<50x1xf32>
    %jit3A = arith.constant 0xFF800000 : f32
    %broadcast_in_dim3A_191 = vector.broadcast %jit3A : f32 to vector<50x1xf32>
    %select_n3A = arith.select %gt3A_190, %broadcast_in_dim3A_191, %mul3A_183 : vector<50x1xi1>, vector<50x1xf32>
    %reduce_max3A = arith.constant dense<0xFF800000> : vector<1xf32>
    %reduce_max3A_192 = vector.multi_reduction <maximumf>, %select_n3A, %reduce_max3A [0] : vector<50x1xf32> to vector<1xf32>
    %broadcast_in_dim3A_193 = vector.shape_cast %reduce_max3A_192 : vector<1xf32> to vector<1x1xf32>
    %sub3A_194 = vector.broadcast %broadcast_in_dim3A_193 : vector<1x1xf32> to vector<50x1xf32>
    %sub3A_195 = arith.subf %select_n3A, %sub3A_194 : vector<50x1xf32>
    %exp3A = math.exp %sub3A_195 : vector<50x1xf32>
    %reduce_sum3A_196 = arith.constant dense<0.000000e+00> : vector<1xf32>
    %reduce_sum3A_197 = vector.multi_reduction <add>, %exp3A, %reduce_sum3A_196 [0] : vector<50x1xf32> to vector<1xf32>
    %broadcast_in_dim3A_198 = vector.shape_cast %reduce_sum3A_197 : vector<1xf32> to vector<1x1xf32>
    %sub3A_199 = vector.broadcast %broadcast_in_dim3A_193 : vector<1x1xf32> to vector<50x1xf32>
    %sub3A_200 = arith.subf %select_n3A, %sub3A_199 : vector<50x1xf32>
    %log3A = math.log %broadcast_in_dim3A_198 : vector<1x1xf32>
    %sub3A_201 = vector.broadcast %log3A : vector<1x1xf32> to vector<50x1xf32>
    %sub3A_202 = arith.subf %sub3A_200, %sub3A_201 : vector<50x1xf32>
    %exp3A_203 = math.exp %sub3A_202 : vector<50x1xf32>
    %mul3A_204 = arith.mulf %exp3A_203, %sub3A_202 : vector<50x1xf32>
    %reduce_sum3A_205 = arith.constant dense<0.000000e+00> : vector<1xf32>
    %reduce_sum3A_206 = vector.multi_reduction <add>, %mul3A_204, %reduce_sum3A_205 [0] : vector<50x1xf32> to vector<1xf32>
    %broadcast_in_dim3A_207 = vector.shape_cast %reduce_sum3A_206 : vector<1xf32> to vector<1x1xf32>
    %neg3A = arith.constant 0.000000e+00 : f32
    %neg3A_208 = vector.broadcast %neg3A : f32 to vector<1x1xf32>
    %neg3A_209 = arith.subf %neg3A_208, %broadcast_in_dim3A_207 : vector<1x1xf32>
    %swap3A = arith.constant 0 : index
    %swap3A_210 = arith.constant 0 : index
    %swap3A_211 = arith.constant 0 : index
    %swap3A_212 = vector.load %arg8[%swap3A, %swap3A_210, %swap3A_211] : memref<2x1x1xf32, #tpu.memory_space<vmem>>, vector<1x1x1xf32>
    %swap3A_213 = vector.shape_cast %swap3A_212 : vector<1x1x1xf32> to vector<1x1xf32>
    %swap3A_214 = vector.shape_cast %neg3A_209 : vector<1x1xf32> to vector<1x1x1xf32>
    tpu.vector_store %arg8[%swap3A, %swap3A_210, %swap3A_211], %swap3A_214 {strides = array<i32>} : memref<2x1x1xf32, #tpu.memory_space<vmem>>, vector<1x1x1xf32>,
    %get3A_215 = arith.constant 0 : index
    %get3A_216 = arith.constant 0 : index
    %get3A_217 = arith.constant 0 : index
    %get3A_218 = vector.load %arg4[%get3A_215, %get3A_216, %get3A_217] : memref<2x52x1xi32, #tpu.memory_space<vmem>>, vector<1x52x1xi32>
    %get3A_219 = vector.shape_cast %get3A_218 : vector<1x52x1xi32> to vector<52x1xi32>
    %slice3A_220 = vector.extract_strided_slice %get3A_219 {offsets = [50, 0], sizes = [1, 1], strides = [1, 1]} : vector<52x1xi32> to vector<1x1xi32>
    %iota3A_221 = tpu.iota {dimensions = array<i32: 0>} : vector<50x1xi32>
    %eq3A_222 = vector.broadcast %slice3A_220 : vector<1x1xi32> to vector<50x1xi32>
    %eq3A_223 = arith.cmpi eq, %iota3A_221, %eq3A_222 : vector<50x1xi32>
    %convert_element_type3A_224 = arith.extui %eq3A_223 : vector<50x1xi1> to vector<50x1xi32>
    %convert_element_type3A_225 = arith.sitofp %convert_element_type3A_224 : vector<50x1xi32> to vector<50x1xf32>
    %mul3A_226 = arith.mulf %sub3A_202, %convert_element_type3A_225 : vector<50x1xf32>
    %reduce_sum3A_227 = arith.constant dense<0.000000e+00> : vector<1xf32>
    %reduce_sum3A_228 = vector.multi_reduction <add>, %mul3A_226, %reduce_sum3A_227 [0] : vector<50x1xf32> to vector<1xf32>
    %broadcast_in_dim3A_229 = vector.shape_cast %reduce_sum3A_228 : vector<1xf32> to vector<1x1xf32>
    %swap3A_230 = arith.constant 0 : index
    %swap3A_231 = arith.constant 0 : index
    %swap3A_232 = arith.constant 0 : index
    %swap3A_233 = vector.load %arg10[%swap3A_230, %swap3A_231, %swap3A_232] : memref<2x1x1xf32, #tpu.memory_space<vmem>>, vector<1x1x1xf32>
    %swap3A_234 = vector.shape_cast %swap3A_233 : vector<1x1x1xf32> to vector<1x1xf32>
    %swap3A_235 = vector.shape_cast %broadcast_in_dim3A_229 : vector<1x1xf32> to vector<1x1x1xf32>
    tpu.vector_store %arg10[%swap3A_230, %swap3A_231, %swap3A_232], %swap3A_235 {strides = array<i32>} : memref<2x1x1xf32, #tpu.memory_space<vmem>>, vector<1x1x1xf32>,
    %get3A_236 = arith.constant 0 : index
    %get3A_237 = arith.constant 0 : index
    %get3A_238 = arith.constant 0 : index
    %get3A_239 = vector.load %arg4[%get3A_236, %get3A_237, %get3A_238] : memref<2x52x1xi32, #tpu.memory_space<vmem>>, vector<1x52x1xi32>
    %get3A_240 = vector.shape_cast %get3A_239 : vector<1x52x1xi32> to vector<52x1xi32>
    %slice3A_241 = vector.extract_strided_slice %get3A_240 {offsets = [51, 0], sizes = [1, 1], strides = [1, 1]} : vector<52x1xi32> to vector<1x1xi32>
    %iota3A_242 = tpu.iota {dimensions = array<i32: 1>} : vector<1x1000xi32>
    %eq3A_243 = vector.broadcast %slice3A_241 : vector<1x1xi32> to vector<1x1000xi32>
    %eq3A_244 = arith.cmpi eq, %iota3A_242, %eq3A_243 : vector<1x1000xi32>
    %convert_element_type3A_245 = arith.extui %eq3A_244 : vector<1x1000xi1> to vector<1x1000xi32>
    %convert_element_type3A_246 = arith.sitofp %convert_element_type3A_245 : vector<1x1000xi32> to vector<1x1000xf32>
    %dot_general3A_247 = arith.constant dense<0.000000e+00> : vector<1x64xf32>
    %dot_general3A_248 = tpu.matmul %convert_element_type3A_246, %slice3A_110, %dot_general3A_247 {dimension_numbers = #tpu.dot_dimension_numbers<[1], [0], [0], [1], [0, 0, 1, 1], [], []>, transpose_lhs_hint = false} : vector<1x1000xf32>, vector<1000x64xf32>, vector<1x64xf32> -> vector<1x64xf32>
    %swap3A_249 = arith.constant 0 : index
    %swap3A_250 = arith.constant 0 : index
    %swap3A_251 = arith.constant 0 : index
    %swap3A_252 = vector.load %arg11[%swap3A_249, %swap3A_250, %swap3A_251] : memref<2x1x64xf32, #tpu.memory_space<vmem>>, vector<1x1x64xf32>
    %swap3A_253 = vector.shape_cast %swap3A_252 : vector<1x1x64xf32> to vector<1x64xf32>
    %swap3A_254 = vector.shape_cast %dot_general3A_248 : vector<1x64xf32> to vector<1x1x64xf32>
    tpu.vector_store %arg11[%swap3A_249, %swap3A_250, %swap3A_251], %swap3A_254 {strides = array<i32>} : memref<2x1x64xf32, #tpu.memory_space<vmem>>, vector<1x1x64xf32>,
    %get3A_255 = arith.constant 256 : index
    %get3A_256 = arith.constant 0 : index
    %get3A_257 = vector.load %arg7[%get3A_255, %get3A_256] : memref<330x128xf32, #tpu.memory_space<vmem>>, vector<64x64xf32>
    %dot_general3A_258 = arith.constant dense<0.000000e+00> : vector<1x64xf32>
    %dot_general3A_259 = tpu.matmul %dot_general3A_124, %get3A_257, %dot_general3A_258 {dimension_numbers = #tpu.dot_dimension_numbers<[1], [0], [0], [1], [0, 0, 1, 1], [], []>, transpose_lhs_hint = false} : vector<1x64xf32>, vector<64x64xf32>, vector<1x64xf32> -> vector<1x64xf32>
    %get3A_260 = arith.constant 326 : index
    %get3A_261 = arith.constant 0 : index
    %get3A_262 = vector.load %arg7[%get3A_260, %get3A_261] : memref<330x128xf32, #tpu.memory_space<vmem>>, vector<1x64xf32>
    %add3A_263 = arith.addf %dot_general3A_259, %get3A_262 : vector<1x64xf32>
    %tanh3A_264 = math.tanh %add3A_263 : vector<1x64xf32>
    %get3A_265 = arith.constant 329 : index
    %get3A_266 = arith.constant 1 : index
    %get3A_267 = vector.load %arg7[%get3A_265, %get3A_266] : memref<330x128xf32, #tpu.memory_space<vmem>>, vector<1x1xf32>
    %get3A_268 = arith.constant 328 : index
    %get3A_269 = arith.constant 0 : index
    %get3A_270 = vector.load %arg7[%get3A_268, %get3A_269] : memref<330x128xf32, #tpu.memory_space<vmem>>, vector<1x64xf32>
    %mul3A_271 = arith.mulf %tanh3A_264, %get3A_270 : vector<1x64xf32>
    %reduce_sum3A_272 = arith.constant dense<0.000000e+00> : vector<1xf32>
    %reduce_sum3A_273 = vector.multi_reduction <add>, %mul3A_271, %reduce_sum3A_272 [1] : vector<1x64xf32> to vector<1xf32>
    %broadcast_in_dim3A_274 = vector.shape_cast %reduce_sum3A_273 : vector<1xf32> to vector<1x1xf32>
    %add3A_275 = arith.addf %broadcast_in_dim3A_274, %get3A_267 : vector<1x1xf32>
    %swap3A_276 = arith.constant 0 : index
    %swap3A_277 = arith.constant 0 : index
    %swap3A_278 = arith.constant 0 : index
    %swap3A_279 = vector.load %arg9[%swap3A_276, %swap3A_277, %swap3A_278] : memref<2x1x1xf32, #tpu.memory_space<vmem>>, vector<1x1x1xf32>
    %swap3A_280 = vector.shape_cast %swap3A_279 : vector<1x1x1xf32> to vector<1x1xf32>
    %swap3A_281 = vector.shape_cast %add3A_275 : vector<1x1xf32> to vector<1x1x1xf32>
    tpu.vector_store %arg9[%swap3A_276, %swap3A_277, %swap3A_278], %swap3A_281 {strides = array<i32>} : memref<2x1x1xf32, #tpu.memory_space<vmem>>, vector<1x1x1xf32>,
    %swap3A_282 = arith.constant 0 : index
    %swap3A_283 = arith.constant 0 : index
    %swap3A_284 = arith.constant 0 : index
    %swap3A_285 = vector.load %arg12[%swap3A_282, %swap3A_283, %swap3A_284] : memref<2x1x64xf32, #tpu.memory_space<vmem>>, vector<1x1x64xf32>
    %swap3A_286 = vector.shape_cast %swap3A_285 : vector<1x1x64xf32> to vector<1x64xf32>
    %swap3A_287 = vector.shape_cast %dot_general3A_124 : vector<1x64xf32> to vector<1x1x64xf32>
    tpu.vector_store %arg12[%swap3A_282, %swap3A_283, %swap3A_284], %swap3A_287 {strides = array<i32>} : memref<2x1x64xf32, #tpu.memory_space<vmem>>, vector<1x1x64xf32>,
    %slice3A_288 = vector.extract_strided_slice %max3A_109 {offsets = [0, 64], sizes = [1000, 64], strides = [1, 1]} : vector<1000x128xf32> to vector<1000x64xf32>
    %get3A_289 = arith.constant 1 : index
    %get3A_290 = arith.constant 0 : index
    %get3A_291 = arith.constant 0 : index
    %get3A_292 = vector.load %arg3[%get3A_289, %get3A_290, %get3A_291] : memref<2x1x1064xf32, #tpu.memory_space<vmem>>, vector<1x1x1064xf32>
    %get3A_293 = vector.shape_cast %get3A_292 : vector<1x1x1064xf32> to vector<1x1064xf32>
    %slice3A_294 = vector.extract_strided_slice %get3A_293 {offsets = [0, 0], sizes = [1, 1000], strides = [1, 1]} : vector<1x1064xf32> to vector<1x1000xf32>
    %get3A_295 = arith.constant 1 : index
    %get3A_296 = arith.constant 0 : index
    %get3A_297 = arith.constant 0 : index
    %get3A_298 = vector.load %arg3[%get3A_295, %get3A_296, %get3A_297] : memref<2x1x1064xf32, #tpu.memory_space<vmem>>, vector<1x1x1064xf32>
    %get3A_299 = vector.shape_cast %get3A_298 : vector<1x1x1064xf32> to vector<1x1064xf32>
    %slice3A_300 = vector.extract_strided_slice %get3A_299 {offsets = [0, 1000], sizes = [1, 64], strides = [1, 1]} : vector<1x1064xf32> to vector<1x64xf32>
    %dot_general3A_301 = arith.constant dense<0.000000e+00> : vector<1x64xf32>
    %dot_general3A_302 = tpu.matmul %slice3A_294, %slice3A_288, %dot_general3A_301 {dimension_numbers = #tpu.dot_dimension_numbers<[1], [0], [0], [1], [0, 0, 1, 1], [], []>, transpose_lhs_hint = false} : vector<1x1000xf32>, vector<1000x64xf32>, vector<1x64xf32> -> vector<1x64xf32>
    %get3A_303 = arith.constant 1 : index
    %get3A_304 = arith.constant 0 : index
    %get3A_305 = arith.constant 0 : index
    %get3A_306 = vector.load %arg4[%get3A_303, %get3A_304, %get3A_305] : memref<2x52x1xi32, #tpu.memory_space<vmem>>, vector<1x52x1xi32>
    %get3A_307 = vector.shape_cast %get3A_306 : vector<1x52x1xi32> to vector<52x1xi32>
    %slice3A_308 = vector.extract_strided_slice %get3A_307 {offsets = [0, 0], sizes = [50, 1], strides = [1, 1]} : vector<52x1xi32> to vector<50x1xi32>
    %iota3A_309 = tpu.iota {dimensions = array<i32: 1>} : vector<50x1000xi32>
    %eq3A_310 = vector.broadcast %slice3A_308 : vector<50x1xi32> to vector<50x1000xi32>
    %eq3A_311 = arith.cmpi eq, %iota3A_309, %eq3A_310 : vector<50x1000xi32>
    %convert_element_type3A_312 = arith.extui %eq3A_311 : vector<50x1000xi1> to vector<50x1000xi32>
    %convert_element_type3A_313 = arith.sitofp %convert_element_type3A_312 : vector<50x1000xi32> to vector<50x1000xf32>
    %dot_general3A_314 = arith.constant dense<0.000000e+00> : vector<50x64xf32>
    %dot_general3A_315 = tpu.matmul %convert_element_type3A_313, %slice3A_288, %dot_general3A_314 {dimension_numbers = #tpu.dot_dimension_numbers<[1], [0], [0], [1], [0, 0, 1, 1], [], []>, transpose_lhs_hint = false} : vector<50x1000xf32>, vector<1000x64xf32>, vector<50x64xf32> -> vector<50x64xf32>
    %get3A_316 = arith.constant 0 : index
    %get3A_317 = arith.constant 0 : index
    %get3A_318 = vector.load %arg7[%get3A_316, %get3A_317] : memref<330x128xf32, #tpu.memory_space<vmem>>, vector<64x64xf32>
    %dot_general3A_319 = arith.constant dense<0.000000e+00> : vector<50x64xf32>
    %dot_general3A_320 = tpu.matmul %dot_general3A_315, %get3A_318, %dot_general3A_319 {dimension_numbers = #tpu.dot_dimension_numbers<[1], [0], [0], [1], [0, 0, 1, 1], [], []>, transpose_lhs_hint = false} : vector<50x64xf32>, vector<64x64xf32>, vector<50x64xf32> -> vector<50x64xf32>
    %get3A_321 = arith.constant 64 : index
    %get3A_322 = arith.constant 0 : index
    %get3A_323 = vector.load %arg7[%get3A_321, %get3A_322] : memref<330x128xf32, #tpu.memory_space<vmem>>, vector<64x64xf32>
    %dot_general3A_324 = arith.constant dense<0.000000e+00> : vector<1x64xf32>
    %dot_general3A_325 = tpu.matmul %dot_general3A_302, %get3A_323, %dot_general3A_324 {dimension_numbers = #tpu.dot_dimension_numbers<[1], [0], [0], [1], [0, 0, 1, 1], [], []>, transpose_lhs_hint = false} : vector<1x64xf32>, vector<64x64xf32>, vector<1x64xf32> -> vector<1x64xf32>
    %add3A_326 = vector.broadcast %dot_general3A_325 : vector<1x64xf32> to vector<50x64xf32>
    %add3A_327 = arith.addf %dot_general3A_320, %add3A_326 : vector<50x64xf32>
    %get3A_328 = arith.constant 128 : index
    %get3A_329 = arith.constant 0 : index
    %get3A_330 = vector.load %arg7[%get3A_328, %get3A_329] : memref<330x128xf32, #tpu.memory_space<vmem>>, vector<64x64xf32>
    %dot_general3A_331 = arith.constant dense<0.000000e+00> : vector<1x64xf32>
    %dot_general3A_332 = tpu.matmul %slice3A_300, %get3A_330, %dot_general3A_331 {dimension_numbers = #tpu.dot_dimension_numbers<[1], [0], [0], [1], [0, 0, 1, 1], [], []>, transpose_lhs_hint = false} : vector<1x64xf32>, vector<64x64xf32>, vector<1x64xf32> -> vector<1x64xf32>
    %add3A_333 = vector.broadcast %dot_general3A_332 : vector<1x64xf32> to vector<50x64xf32>
    %add3A_334 = arith.addf %add3A_327, %add3A_333 : vector<50x64xf32>
    %get3A_335 = arith.constant 324 : index
    %get3A_336 = arith.constant 0 : index
    %get3A_337 = vector.load %arg7[%get3A_335, %get3A_336] : memref<330x128xf32, #tpu.memory_space<vmem>>, vector<1x64xf32>
    %add3A_338 = vector.broadcast %get3A_337 : vector<1x64xf32> to vector<50x64xf32>
    %add3A_339 = arith.addf %add3A_334, %add3A_338 : vector<50x64xf32>
    %tanh3A_340 = math.tanh %add3A_339 : vector<50x64xf32>
    %get3A_341 = arith.constant 192 : index
    %get3A_342 = arith.constant 0 : index
    %get3A_343 = vector.load %arg7[%get3A_341, %get3A_342] : memref<330x128xf32, #tpu.memory_space<vmem>>, vector<64x64xf32>
    %dot_general3A_344 = arith.constant dense<0.000000e+00> : vector<50x64xf32>
    %dot_general3A_345 = tpu.matmul %tanh3A_340, %get3A_343, %dot_general3A_344 {dimension_numbers = #tpu.dot_dimension_numbers<[1], [0], [0], [1], [0, 0, 1, 1], [], []>, transpose_lhs_hint = false} : vector<50x64xf32>, vector<64x64xf32>, vector<50x64xf32> -> vector<50x64xf32>
    %get3A_346 = arith.constant 325 : index
    %get3A_347 = arith.constant 0 : index
    %get3A_348 = vector.load %arg7[%get3A_346, %get3A_347] : memref<330x128xf32, #tpu.memory_space<vmem>>, vector<1x64xf32>
    %add3A_349 = vector.broadcast %get3A_348 : vector<1x64xf32> to vector<50x64xf32>
    %add3A_350 = arith.addf %dot_general3A_345, %add3A_349 : vector<50x64xf32>
    %tanh3A_351 = math.tanh %add3A_350 : vector<50x64xf32>
    %get3A_352 = arith.constant 329 : index
    %get3A_353 = arith.constant 0 : index
    %get3A_354 = vector.load %arg7[%get3A_352, %get3A_353] : memref<330x128xf32, #tpu.memory_space<vmem>>, vector<1x1xf32>
    %get3A_355 = arith.constant 327 : index
    %get3A_356 = arith.constant 0 : index
    %get3A_357 = vector.load %arg7[%get3A_355, %get3A_356] : memref<330x128xf32, #tpu.memory_space<vmem>>, vector<1x64xf32>
    %mul3A_358 = vector.broadcast %get3A_357 : vector<1x64xf32> to vector<50x64xf32>
    %mul3A_359 = arith.mulf %tanh3A_351, %mul3A_358 : vector<50x64xf32>
    %reduce_sum3A_360 = arith.constant dense<0.000000e+00> : vector<50xf32>
    %reduce_sum3A_361 = vector.multi_reduction <add>, %mul3A_359, %reduce_sum3A_360 [1] : vector<50x64xf32> to vector<50xf32>
    %broadcast_in_dim3A_362 = vector.shape_cast %reduce_sum3A_361 : vector<50xf32> to vector<50x1xf32>
    %add3A_363 = vector.broadcast %get3A_354 : vector<1x1xf32> to vector<50x1xf32>
    %add3A_364 = arith.addf %broadcast_in_dim3A_362, %add3A_363 : vector<50x1xf32>
    %mul3A_365 = arith.constant 1.000000e+01 : f32
    %mul3A_366 = vector.broadcast %mul3A_365 : f32 to vector<50x1xf32>
    %mul3A_367 = arith.mulf %add3A_364, %mul3A_366 : vector<50x1xf32>
    %get3A_368 = arith.constant 1 : index
    %get3A_369 = arith.constant 0 : index
    %get3A_370 = arith.constant 0 : index
    %get3A_371 = vector.load %arg5[%get3A_368, %get3A_369, %get3A_370] : memref<2x50x1xf32, #tpu.memory_space<vmem>>, vector<1x50x1xf32>
    %get3A_372 = vector.shape_cast %get3A_371 : vector<1x50x1xf32> to vector<50x1xf32>
    %gt3A_373 = arith.constant 5.000000e-01 : f32
    %gt3A_374 = vector.broadcast %gt3A_373 : f32 to vector<50x1xf32>
    %gt3A_375 = arith.cmpf ogt, %get3A_372, %gt3A_374 : vector<50x1xf32>
    %jit3A_376 = arith.constant 0xFF800000 : f32
    %broadcast_in_dim3A_377 = vector.broadcast %jit3A_376 : f32 to vector<50x1xf32>
    %select_n3A_378 = arith.select %gt3A_375, %broadcast_in_dim3A_377, %mul3A_367 : vector<50x1xi1>, vector<50x1xf32>
    %reduce_max3A_379 = arith.constant dense<0xFF800000> : vector<1xf32>
    %reduce_max3A_380 = vector.multi_reduction <maximumf>, %select_n3A_378, %reduce_max3A_379 [0] : vector<50x1xf32> to vector<1xf32>
    %broadcast_in_dim3A_381 = vector.shape_cast %reduce_max3A_380 : vector<1xf32> to vector<1x1xf32>
    %sub3A_382 = vector.broadcast %broadcast_in_dim3A_381 : vector<1x1xf32> to vector<50x1xf32>
    %sub3A_383 = arith.subf %select_n3A_378, %sub3A_382 : vector<50x1xf32>
    %exp3A_384 = math.exp %sub3A_383 : vector<50x1xf32>
    %reduce_sum3A_385 = arith.constant dense<0.000000e+00> : vector<1xf32>
    %reduce_sum3A_386 = vector.multi_reduction <add>, %exp3A_384, %reduce_sum3A_385 [0] : vector<50x1xf32> to vector<1xf32>
    %broadcast_in_dim3A_387 = vector.shape_cast %reduce_sum3A_386 : vector<1xf32> to vector<1x1xf32>
    %sub3A_388 = vector.broadcast %broadcast_in_dim3A_381 : vector<1x1xf32> to vector<50x1xf32>
    %sub3A_389 = arith.subf %select_n3A_378, %sub3A_388 : vector<50x1xf32>
    %log3A_390 = math.log %broadcast_in_dim3A_387 : vector<1x1xf32>
    %sub3A_391 = vector.broadcast %log3A_390 : vector<1x1xf32> to vector<50x1xf32>
    %sub3A_392 = arith.subf %sub3A_389, %sub3A_391 : vector<50x1xf32>
    %exp3A_393 = math.exp %sub3A_392 : vector<50x1xf32>
    %mul3A_394 = arith.mulf %exp3A_393, %sub3A_392 : vector<50x1xf32>
    %reduce_sum3A_395 = arith.constant dense<0.000000e+00> : vector<1xf32>
    %reduce_sum3A_396 = vector.multi_reduction <add>, %mul3A_394, %reduce_sum3A_395 [0] : vector<50x1xf32> to vector<1xf32>
    %broadcast_in_dim3A_397 = vector.shape_cast %reduce_sum3A_396 : vector<1xf32> to vector<1x1xf32>
    %neg3A_398 = arith.constant 0.000000e+00 : f32
    %neg3A_399 = vector.broadcast %neg3A_398 : f32 to vector<1x1xf32>
    %neg3A_400 = arith.subf %neg3A_399, %broadcast_in_dim3A_397 : vector<1x1xf32>
    %swap3A_401 = arith.constant 1 : index
    %swap3A_402 = arith.constant 0 : index
    %swap3A_403 = arith.constant 0 : index
    %swap3A_404 = vector.load %arg8[%swap3A_401, %swap3A_402, %swap3A_403] : memref<2x1x1xf32, #tpu.memory_space<vmem>>, vector<1x1x1xf32>
    %swap3A_405 = vector.shape_cast %swap3A_404 : vector<1x1x1xf32> to vector<1x1xf32>
    %swap3A_406 = vector.shape_cast %neg3A_400 : vector<1x1xf32> to vector<1x1x1xf32>
    tpu.vector_store %arg8[%swap3A_401, %swap3A_402, %swap3A_403], %swap3A_406 {strides = array<i32>} : memref<2x1x1xf32, #tpu.memory_space<vmem>>, vector<1x1x1xf32>,
    %get3A_407 = arith.constant 1 : index
    %get3A_408 = arith.constant 0 : index
    %get3A_409 = arith.constant 0 : index
    %get3A_410 = vector.load %arg4[%get3A_407, %get3A_408, %get3A_409] : memref<2x52x1xi32, #tpu.memory_space<vmem>>, vector<1x52x1xi32>
    %get3A_411 = vector.shape_cast %get3A_410 : vector<1x52x1xi32> to vector<52x1xi32>
    %slice3A_412 = vector.extract_strided_slice %get3A_411 {offsets = [50, 0], sizes = [1, 1], strides = [1, 1]} : vector<52x1xi32> to vector<1x1xi32>
    %iota3A_413 = tpu.iota {dimensions = array<i32: 0>} : vector<50x1xi32>
    %eq3A_414 = vector.broadcast %slice3A_412 : vector<1x1xi32> to vector<50x1xi32>
    %eq3A_415 = arith.cmpi eq, %iota3A_413, %eq3A_414 : vector<50x1xi32>
    %convert_element_type3A_416 = arith.extui %eq3A_415 : vector<50x1xi1> to vector<50x1xi32>
    %convert_element_type3A_417 = arith.sitofp %convert_element_type3A_416 : vector<50x1xi32> to vector<50x1xf32>
    %mul3A_418 = arith.mulf %sub3A_392, %convert_element_type3A_417 : vector<50x1xf32>
    %reduce_sum3A_419 = arith.constant dense<0.000000e+00> : vector<1xf32>
    %reduce_sum3A_420 = vector.multi_reduction <add>, %mul3A_418, %reduce_sum3A_419 [0] : vector<50x1xf32> to vector<1xf32>
    %broadcast_in_dim3A_421 = vector.shape_cast %reduce_sum3A_420 : vector<1xf32> to vector<1x1xf32>
    %swap3A_422 = arith.constant 1 : index
    %swap3A_423 = arith.constant 0 : index
    %swap3A_424 = arith.constant 0 : index
    %swap3A_425 = vector.load %arg10[%swap3A_422, %swap3A_423, %swap3A_424] : memref<2x1x1xf32, #tpu.memory_space<vmem>>, vector<1x1x1xf32>
    %swap3A_426 = vector.shape_cast %swap3A_425 : vector<1x1x1xf32> to vector<1x1xf32>
    %swap3A_427 = vector.shape_cast %broadcast_in_dim3A_421 : vector<1x1xf32> to vector<1x1x1xf32>
    tpu.vector_store %arg10[%swap3A_422, %swap3A_423, %swap3A_424], %swap3A_427 {strides = array<i32>} : memref<2x1x1xf32, #tpu.memory_space<vmem>>, vector<1x1x1xf32>,
    %get3A_428 = arith.constant 1 : index
    %get3A_429 = arith.constant 0 : index
    %get3A_430 = arith.constant 0 : index
    %get3A_431 = vector.load %arg4[%get3A_428, %get3A_429, %get3A_430] : memref<2x52x1xi32, #tpu.memory_space<vmem>>, vector<1x52x1xi32>
    %get3A_432 = vector.shape_cast %get3A_431 : vector<1x52x1xi32> to vector<52x1xi32>
    %slice3A_433 = vector.extract_strided_slice %get3A_432 {offsets = [51, 0], sizes = [1, 1], strides = [1, 1]} : vector<52x1xi32> to vector<1x1xi32>
    %iota3A_434 = tpu.iota {dimensions = array<i32: 1>} : vector<1x1000xi32>
    %eq3A_435 = vector.broadcast %slice3A_433 : vector<1x1xi32> to vector<1x1000xi32>
    %eq3A_436 = arith.cmpi eq, %iota3A_434, %eq3A_435 : vector<1x1000xi32>
    %convert_element_type3A_437 = arith.extui %eq3A_436 : vector<1x1000xi1> to vector<1x1000xi32>
    %convert_element_type3A_438 = arith.sitofp %convert_element_type3A_437 : vector<1x1000xi32> to vector<1x1000xf32>
    %dot_general3A_439 = arith.constant dense<0.000000e+00> : vector<1x64xf32>
    %dot_general3A_440 = tpu.matmul %convert_element_type3A_438, %slice3A_288, %dot_general3A_439 {dimension_numbers = #tpu.dot_dimension_numbers<[1], [0], [0], [1], [0, 0, 1, 1], [], []>, transpose_lhs_hint = false} : vector<1x1000xf32>, vector<1000x64xf32>, vector<1x64xf32> -> vector<1x64xf32>
    %swap3A_441 = arith.constant 1 : index
    %swap3A_442 = arith.constant 0 : index
    %swap3A_443 = arith.constant 0 : index
    %swap3A_444 = vector.load %arg11[%swap3A_441, %swap3A_442, %swap3A_443] : memref<2x1x64xf32, #tpu.memory_space<vmem>>, vector<1x1x64xf32>
    %swap3A_445 = vector.shape_cast %swap3A_444 : vector<1x1x64xf32> to vector<1x64xf32>
    %swap3A_446 = vector.shape_cast %dot_general3A_440 : vector<1x64xf32> to vector<1x1x64xf32>
    tpu.vector_store %arg11[%swap3A_441, %swap3A_442, %swap3A_443], %swap3A_446 {strides = array<i32>} : memref<2x1x64xf32, #tpu.memory_space<vmem>>, vector<1x1x64xf32>,
    %get3A_447 = arith.constant 256 : index
    %get3A_448 = arith.constant 0 : index
    %get3A_449 = vector.load %arg7[%get3A_447, %get3A_448] : memref<330x128xf32, #tpu.memory_space<vmem>>, vector<64x64xf32>
    %dot_general3A_450 = arith.constant dense<0.000000e+00> : vector<1x64xf32>
    %dot_general3A_451 = tpu.matmul %dot_general3A_302, %get3A_449, %dot_general3A_450 {dimension_numbers = #tpu.dot_dimension_numbers<[1], [0], [0], [1], [0, 0, 1, 1], [], []>, transpose_lhs_hint = false} : vector<1x64xf32>, vector<64x64xf32>, vector<1x64xf32> -> vector<1x64xf32>
    %get3A_452 = arith.constant 326 : index
    %get3A_453 = arith.constant 0 : index
    %get3A_454 = vector.load %arg7[%get3A_452, %get3A_453] : memref<330x128xf32, #tpu.memory_space<vmem>>, vector<1x64xf32>
    %add3A_455 = arith.addf %dot_general3A_451, %get3A_454 : vector<1x64xf32>
    %tanh3A_456 = math.tanh %add3A_455 : vector<1x64xf32>
    %get3A_457 = arith.constant 329 : index
    %get3A_458 = arith.constant 1 : index
    %get3A_459 = vector.load %arg7[%get3A_457, %get3A_458] : memref<330x128xf32, #tpu.memory_space<vmem>>, vector<1x1xf32>
    %get3A_460 = arith.constant 328 : index
    %get3A_461 = arith.constant 0 : index
    %get3A_462 = vector.load %arg7[%get3A_460, %get3A_461] : memref<330x128xf32, #tpu.memory_space<vmem>>, vector<1x64xf32>
    %mul3A_463 = arith.mulf %tanh3A_456, %get3A_462 : vector<1x64xf32>
    %reduce_sum3A_464 = arith.constant dense<0.000000e+00> : vector<1xf32>
    %reduce_sum3A_465 = vector.multi_reduction <add>, %mul3A_463, %reduce_sum3A_464 [1] : vector<1x64xf32> to vector<1xf32>
    %broadcast_in_dim3A_466 = vector.shape_cast %reduce_sum3A_465 : vector<1xf32> to vector<1x1xf32>
    %add3A_467 = arith.addf %broadcast_in_dim3A_466, %get3A_459 : vector<1x1xf32>
    %swap3A_468 = arith.constant 1 : index
    %swap3A_469 = arith.constant 0 : index
    %swap3A_470 = arith.constant 0 : index
    %swap3A_471 = vector.load %arg9[%swap3A_468, %swap3A_469, %swap3A_470] : memref<2x1x1xf32, #tpu.memory_space<vmem>>, vector<1x1x1xf32>
    %swap3A_472 = vector.shape_cast %swap3A_471 : vector<1x1x1xf32> to vector<1x1xf32>
    %swap3A_473 = vector.shape_cast %add3A_467 : vector<1x1xf32> to vector<1x1x1xf32>
    tpu.vector_store %arg9[%swap3A_468, %swap3A_469, %swap3A_470], %swap3A_473 {strides = array<i32>} : memref<2x1x1xf32, #tpu.memory_space<vmem>>, vector<1x1x1xf32>,
    %swap3A_474 = arith.constant 1 : index
    %swap3A_475 = arith.constant 0 : index
    %swap3A_476 = arith.constant 0 : index
    %swap3A_477 = vector.load %arg12[%swap3A_474, %swap3A_475, %swap3A_476] : memref<2x1x64xf32, #tpu.memory_space<vmem>>, vector<1x1x64xf32>
    %swap3A_478 = vector.shape_cast %swap3A_477 : vector<1x1x64xf32> to vector<1x64xf32>
    %swap3A_479 = vector.shape_cast %dot_general3A_302 : vector<1x64xf32> to vector<1x1x64xf32>
    tpu.vector_store %arg12[%swap3A_474, %swap3A_475, %swap3A_476], %swap3A_479 {strides = array<i32>} : memref<2x1x64xf32, #tpu.memory_space<vmem>>, vector<1x1x64xf32>,
    return
  }
  func.func @transform_0(%arg0: i32) -> (i32, i32, i32) {
    %c0_i32 = arith.constant 0 : i32
    %c0_i32_0 = arith.constant 0 : i32
    %c0_i32_1 = arith.constant 0 : i32
    return %arg0, %c0_i32, %c0_i32_0 : i32, i32, i32
  }
  func.func @transform_1(%arg0: i32) -> (i32, i32, i32) {
    %c0_i32 = arith.constant 0 : i32
    %c0_i32_0 = arith.constant 0 : i32
    %c0_i32_1 = arith.constant 0 : i32
    return %arg0, %c0_i32, %c0_i32_0 : i32, i32, i32
  }
  func.func @transform_2(%arg0: i32) -> (i32, i32, i32) {
    %c0_i32 = arith.constant 0 : i32
    %c0_i32_0 = arith.constant 0 : i32
    %c0_i32_1 = arith.constant 0 : i32
    return %arg0, %c0_i32, %c0_i32_0 : i32, i32, i32
  }
  func.func @transform_3(%arg0: i32) -> (i32, i32, i32) {
    %c0_i32 = arith.constant 0 : i32
    %c0_i32_0 = arith.constant 0 : i32
    %c0_i32_1 = arith.constant 0 : i32
    return %arg0, %c0_i32, %c0_i32_0 : i32, i32, i32
  }
  func.func @transform_4(%arg0: i32) -> (i32, i32, i32) {
    %c0_i32 = arith.constant 0 : i32
    %c0_i32_0 = arith.constant 0 : i32
    %c0_i32_1 = arith.constant 0 : i32
    return %arg0, %c0_i32, %c0_i32_0 : i32, i32, i32
  }
  func.func @transform_5(%arg0: i32) -> (i32, i32) {
    %c0_i32 = arith.constant 0 : i32
    %c0_i32_0 = arith.constant 0 : i32
    %c0_i32_1 = arith.constant 0 : i32
    return %c0_i32, %c0_i32_0 : i32, i32
  }
  func.func @transform_6(%arg0: i32) -> (i32, i32) {
    %c0_i32 = arith.constant 0 : i32
    %c0_i32_0 = arith.constant 0 : i32
    %c0_i32_1 = arith.constant 0 : i32
    return %c0_i32, %c0_i32_0 : i32, i32
  }
  func.func @transform_7(%arg0: i32) -> (i32, i32, i32) {
    %c0_i32 = arith.constant 0 : i32
    %c0_i32_0 = arith.constant 0 : i32
    %c0_i32_1 = arith.constant 0 : i32
    return %arg0, %c0_i32, %c0_i32_0 : i32, i32, i32
  }
  func.func @transform_8(%arg0: i32) -> (i32, i32, i32) {
    %c0_i32 = arith.constant 0 : i32
    %c0_i32_0 = arith.constant 0 : i32
    %c0_i32_1 = arith.constant 0 : i32
    return %arg0, %c0_i32, %c0_i32_0 : i32, i32, i32
  }
  func.func @transform_9(%arg0: i32) -> (i32, i32, i32) {
    %c0_i32 = arith.constant 0 : i32
    %c0_i32_0 = arith.constant 0 : i32
    %c0_i32_1 = arith.constant 0 : i32
    return %arg0, %c0_i32, %c0_i32_0 : i32, i32, i32
  }
  func.func @transform_10(%arg0: i32) -> (i32, i32, i32) {
    %c0_i32 = arith.constant 0 : i32
    %c0_i32_0 = arith.constant 0 : i32
    %c0_i32_1 = arith.constant 0 : i32
    return %arg0, %c0_i32, %c0_i32_0 : i32, i32, i32
  }
  func.func @transform_11(%arg0: i32) -> (i32, i32, i32) {
    %c0_i32 = arith.constant 0 : i32
    %c0_i32_0 = arith.constant 0 : i32
    %c0_i32_1 = arith.constant 0 : i32
    return %arg0, %c0_i32, %c0_i32_0 : i32, i32, i32
  }
}

</mosaic_0001>

<sc_bundles>
// kernel: kernel.4.cloned.1.call-start
scs
__scs_entry_jumppad:
0x0: {  	(pc) =	sbr.rel $0x88, $3  }
0x1: {  	(tag) =	ssettag $0x0;
	lr =	simm.s32 $0x1  }
0x2: {  	[smem:$0x3F85] =	sst lr;
	_ =	strace $0xD0000000  }
0x3: {  	_ = 	snop  }
0x4: {  	_ = 	snop  }
0x5: {  	_ = 	snop  }
0x6: {  	_ = 	snop  }
0x7: {  	_ = 	snop  }
__scs_overlays_trampoline_lowered:
0x8: {  	[smem:$0x3F94] =	sst s0  }
0x9: {  	[smem:$0x3F95] =	sst s1  }
0xa: {  	[smem:$0x3F96] =	sst s2  }
0xb: {  	[smem:$0x3F97] =	sst s3  }
0xc: {  	[smem:$0x3F98] =	sst s4  }
0xd: {  	[smem:$0x3F99] =	sst s5  }
0xe: {  	[smem:$0x3F9A] =	sst s6  }
0xf: {  	[smem:$0x3F9B] =	sst s7  }
0x10: {  	[smem:$0x3F9C] =	sst s8  }
0x11: {  	[smem:$0x3F9D] =	sst s9;
	s0 =	simm.s32 @!p0 $0x0  }
0x12: {  	s1 =	sld [smem:$0x3F83];
	s0 =	simm.s32 @p0 $0x1  }
0x13: {  	[smem:$0x3F9E] =	sst s0;
	s0 =	simm.s32 @!p1 $0x0  }
0x14: {  	s2 =	sld [smem:$0x3F82];
	s0 =	simm.s32 @p1 $0x1  }
0x15: {  	[smem:$0x3F9F] =	sst s0;
	s0 =	simm.s32 @!p2 $0x0  }
0x16: {  	s3 =	sld [smem:$0x3FDB];
	s0 =	simm.s32 @p2 $0x1  }
0x17: {  	s4 =	simm.s32 $0x1BF5;
	[smem:$0x3FA1] =	sst s0  }
0x18: {  	s0 =	sld [smem:$0x3F84];
	_ =	swait.ge [sflag:s4], $0x0  }
0x19: {  	s7 =	sld [smem:$0x3F85]  }
0x1a: {  	s8 =	sadd.s32 $0xFFFFE003, lr  }
0x1b: {  	s9 =	sadd.s32 $0xFFFFFEF7, lr;
	s5 =	simm.s32 $0xFFFFFFFF;
	p2 =	slt.u32 s8, $0xFFFFF086  }
0x1c: {  	p1 =	slt.u32 s9, $0xF7A;
	s5 =	simm.s32 @!p2 $0x0  }
0x1d: {  	s5 =	simm.s32 @p1 $0x1;
	p0 =	seq.s32 s7, s2  }
0x1e: {  	s7 =	smul.u32 @!p0 $0xF7A, s2;
	p2 =	seq.s32 @!p0 s5, $0x0  }
0x1f: {  	s9 =	smul.u32 $0xF7A, s1;
	s8 =	simm.s32 @!p0 $0x1BF5;
	p2 =	por !p2, p0  }
0x20: {  	[sflag:s8] =	ssyncset.s32 @!p0 $0xFFFFF086;
	s6 =	sadd.s32 @!p0 s3, s7;
	s7 =	simm.s32 @!p0 $0x108  }
0x21: {  	s3 =	sadd.s32 s3, s9;
	s6 =	sadd.s32 @!p0 $0x88, s6;
	s7 =	simm.s32 @p2 $0x1082  }
0x22: {  	[simem:s7], [sflag:s8] =	dma.local @!p0 [hbm:s6], $0xF7A  }
0x23: {  	s9 =	sor.u32 $0xD0000000, s2;
	s6 =	simm.s32 $0x108;
	_ =	swait.ge @!p0 [sflag:s8], $0x0  }
0x24: {  	s3 =	sadd.s32 $0x88, s3;
	s6 =	simm.s32 @!p1 $0x1082;
	[sflag:s4] =	ssyncset.s32 $0xFFFFF086  }
0x25: {  	[simem:s6], [sflag:s4] =	dma.local [hbm:s3], $0xF7A  }
0x26: {  	[smem:$0x3F85] =	sst s1;
	(tag) =	ssettag s2;
	_ =	strace s9  }
0x27: {  	s1 =	sld [smem:$0x3F95]  }
0x28: {  	s2 =	sld [smem:$0x3F96]  }
0x29: {  	s4 =	sld [smem:$0x3F98]  }
0x2a: {  	p0 =	seq.s32 s5, $0x0;
	s5 =	sld [smem:$0x3F99]  }
0x2b: {  	s6 =	sld [smem:$0x3F9A]  }
0x2c: {  	s7 =	sld [smem:$0x3F9B]  }
0x2d: {  	s3 =	simm.s32 $0x108;
	s8 =	sld [smem:$0x3F9C]  }
0x2e: {  	s3 =	simm.s32 @!p0 $0x1082;
	s9 =	sld [smem:$0x3F9D]  }
0x2f: {  	lr =	sadd.s32 s0, s3;
	s0 =	sld [smem:$0x3F94]  }
0x30: {  	s3 =	sld [smem:$0x3F97]  }
0x31: {  	[smem:$0x3FA0] =	sst s10  }
0x32: {  	s10 =	sld [smem:$0x3F9E];
	_ =	sdelay $0x3  }
0x33: {  	p0 =	seq.s32 s10, $0x1;
	s10 =	sld [smem:$0x3FA0];
	_ =	sdelay $0x3  }
0x34: {  	[smem:$0x3FA0] =	sst s10  }
0x35: {  	s10 =	sld [smem:$0x3F9F];
	_ =	sdelay $0x3  }
0x36: {  	p1 =	seq.s32 s10, $0x1;
	s10 =	sld [smem:$0x3FA0];
	_ =	sdelay $0x3  }
0x37: {  	[smem:$0x3FA0] =	sst s10  }
0x38: {  	s10 =	sld [smem:$0x3FA1]  }
0x39: {  	_ = 	snop;
	(pc) =	sbr.ind lr, $3  }
0x3a: {  	_ = 	snop  }
0x3b: {  	_ = 	snop  }
0x3c: {  	p2 =	seq.s32 s10, $0x1;
	s10 =	sld [smem:$0x3FA0]  }
0x3d: {  	_ =	shalt  }
0x3e: {  	_ =	shalt  }
0x3f: {  	_ =	shalt  }
0x40: {  	_ =	shalt  }
0x41: {  	_ =	shalt  }
0x42: {  	_ =	shalt  }
0x43: {  	_ =	shalt  }
0x44: {  	_ =	shalt  }
0x45: {  	_ =	shalt  }
0x46: {  	_ =	shalt  }
0x47: {  	_ =	shalt  }
0x48: {  	_ =	shalt  }
0x49: {  	_ =	shalt  }
0x4a: {  	_ =	shalt  }
0x4b: {  	_ =	shalt  }
0x4c: {  	_ =	shalt  }
0x4d: {  	_ =	shalt  }
0x4e: {  	_ =	shalt  }
0x4f: {  	_ =	shalt  }
0x50: {  	_ =	shalt  }
0x51: {  	_ =	shalt  }
0x52: {  	_ =	shalt  }
0x53: {  	_ =	shalt  }
0x54: {  	_ =	shalt  }
0x55: {  	_ =	shalt  }
0x56: {  	_ =	shalt  }
0x57: {  	_ =	shalt  }
0x58: {  	_ =	shalt  }
0x59: {  	_ =	shalt  }
0x5a: {  	_ =	shalt  }
0x5b: {  	_ =	shalt  }
0x5c: {  	_ =	shalt  }
0x5d: {  	_ =	shalt  }
0x5e: {  	_ =	shalt  }
0x5f: {  	_ =	shalt  }
0x60: {  	_ =	shalt  }
0x61: {  	_ =	shalt  }
0x62: {  	_ =	shalt  }
0x63: {  	_ =	shalt  }
0x64: {  	_ =	shalt  }
0x65: {  	_ =	shalt  }
0x66: {  	_ =	shalt  }
0x67: {  	_ =	shalt  }
0x68: {  	_ =	shalt  }
0x69: {  	_ =	shalt  }
0x6a: {  	_ =	shalt  }
0x6b: {  	_ =	shalt  }
0x6c: {  	_ =	shalt  }
0x6d: {  	_ =	shalt  }
0x6e: {  	_ =	shalt  }
0x6f: {  	_ =	shalt  }
0x70: {  	_ =	shalt  }
0x71: {  	_ =	shalt  }
0x72: {  	_ =	shalt  }
0x73: {  	_ =	shalt  }
0x74: {  	_ =	shalt  }
0x75: {  	_ =	shalt  }
0x76: {  	_ =	shalt  }
0x77: {  	_ =	shalt  }
0x78: {  	_ =	shalt  }
0x79: {  	_ =	shalt  }
0x7a: {  	_ =	shalt  }
0x7b: {  	_ =	shalt  }
0x7c: {  	_ =	shalt  }
0x7d: {  	_ =	shalt  }
0x7e: {  	_ =	shalt  }
0x7f: {  	_ =	shalt  }
0x80: {  	_ =	shalt  }
0x81: {  	_ =	shalt  }
0x82: {  	_ =	shalt  }
0x83: {  	_ =	shalt  }
0x84: {  	_ =	shalt  }
0x85: {  	_ =	shalt  }
0x86: {  	_ =	shalt  }
0x87: {  	_ =	shalt  }
.Lfunc_end0:
.L_simem_size_0:
called_computation_lowered:
.L_overlay_start_0:
0x88: {  	s2 =	sld [smem:$0x3FD9]  }
0x89: {  	s3 =	sld [smem:$0x3FFE];
	_ =	sdelay $0x1  }
0x8a: {  	s1 =	srdreg.scid  }
0x8b: {  	s0 =	sand.u32 $0x1, s1  }
0x8c: {  	s14 =	sshll.u32 s0, $0xA;
	s2 =	sadd.s32 s3, s2  }
0x8d: {  	s2 =	sadd.s32 s2, s14  }
0x8e: {  	[smem:$0x3FAC] =	sst s2  }
0x8f: {  	_ = 	snop  }
0x90: {  	s2 =	sld [smem:$0x3FD0];
	_ =	sdelay $0x2  }
0x91: {  	s15 =	simm.s32 $0xA;
	s4 =	simm.s32 $0x10  }
0x92: {  	[smem:s4], [sflag:s15] =	dma.local [hbm:s2], $0x1  }
0x93: {  	_ =	swait.eq [sflag:s15], $0x1  }
0x94: {  	[sflag:s15] =	ssyncset.done $0x0  }
0x95: {  	s16 =	sld [smem:$0x13];
	[sflag:s15] =	ssyncadd.s32 $0xFFFFFFFF  }
0x96: {  	s17 =	sld [smem:$0x15];
	(tm) =	ssettm $0x1  }
0x97: {  	s18 =	sld [smem:$0x3FFB];
	_ =	sdelay $0x3  }
0x98: {  	_ =	strace s18  }
0x99: {  	s4 =	sld [smem:$0x3FFC];
	_ =	sdelay $0x3  }
0x9a: {  	_ =	strace s4  }
0x9b: {  	s4 =	sld [smem:$0x3FFD];
	_ =	sdelay $0x3  }
0x9c: {  	_ =	strace s4  }
0x9d: {  	_ =	strace $0x8FFFFFFF  }
0x9e: {  	s19 =	sld [smem:$0x3FDB];
	_ =	sdelay $0x1  }
0x9f: {  	s5 =	simm.s32 $_scs_section_size  }
0xa0: {  	s6 =	simm.s32 $_size__tile_overlayer_lowered;
	s7 =	simm.s32 $_tile_overlayer_lowered  }
0xa1: {  	s22 =	simm.s32 $0x1BFF;
	s21 =	sshll.u32 s7, $0x1;
	s4 =	sadd.s32 s5, s19  }
0xa2: {  	s8 =	simm.s32 $0x0;
	s20 =	sshll.u32 s6, $0x1;
	s6 =	sadd.s32 s21, s4  }
0xa3: {  	[timem:s8], [sflag:s22] =	dma.local [hbm:s6], s20  }
0xa4: {  	_ =	swait.ge [sflag:s22], s20  }
0xa5: {  	s5 =	ssub.s32 $0x0, s20;
	[sflag:s22] =	ssyncset.done $0x0  }
0xa6: {  	[sflag:s22] =	ssyncadd.s32 s5;
	_ =	sdelay $0x1  }
0xa7: {  	s23 =	simm.s32 $0x1B8B  }
0xa8: {  	_ =	swait.ge [sflag:s23], $0x1  }
0xa9: {  	[sflag:s23] =	ssyncset.done $0x0  }
0xaa: {  	s25 =	simm.s32 $0x1B8E;
	s24 =	sld [smem:$0x3FFE];
	[sflag:s23] =	ssyncadd.s32 $0xFFFFFFFF  }
0xab: {  	s26 =	simm.s32 $execute0_lowered;
	[smem:$0x3FD2] =	sst s25  }
0xac: {  	s6 =	sshll.u32 s26, $0x1;
	_ =	strace $0x80000046;
	[dreg:$0x1] =	wrdreg $0xFFFFFFFF  }
0xad: {  	s28 =	simm.s32 $_size_execute0_lowered;
	s4 =	sadd.s32 s4, s6;
	[dreg:$0x0] =	wrdreg $0x0  }
0xae: {  	s6 =	sshll.u32 s28, $0x1;
	[dreg:$0x2] =	wrdreg s4  }
0xaf: {  	[dreg:$0x3] =	wrdreg s6  }
0xb0: {  	[dreg:$0x4] =	wrdreg $0xC0  }
0xb1: {  	_ =	task [dreg:s8], $0x5FFFF  }
0xb2: {  	[dreg:$0x1] =	wrdreg $0xFFFFFFFF  }
0xb3: {  	[dreg:$0x0] =	wrdreg $0x60  }
0xb4: {  	[dreg:$0x2] =	wrdreg s24  }
0xb5: {  	[dreg:$0x3] =	wrdreg s17  }
0xb6: {  	[dreg:$0x4] =	wrdreg s16  }
0xb7: {  	[dreg:$0x5] =	wrdreg $0x9  }
0xb8: {  	_ =	task.clear_ibuf [dreg:s8], $0x6FFFF;
	_ =	strace $0x90000046  }
0xb9: {  	s29 =	simm.s32 $0x9;
	_ =	strace $0x80000048  }
0xba: {  	_ =	swait.ge [sflag:s29], $0x1  }
0xbb: {  	[sflag:s29] =	ssyncadd.s32 $0xFFFFFFFF  }
0xbc: {  	_ =	strace $0x90000048  }
0xbd: {  	_ =	sfence  }
0xbe: {  	s30 =	sld [smem:$0x0];
	_ =	sdelay $0x2  }
0xbf: {  	s31 =	sshll.u32 s1, $0xD;
	s1 =	sshrl.u32 s1, $0x2  }
0xc0: {  	s3 =	sand.u32 $0x4000, s31;
	s1 =	sadd.s32 s1, s30  }
0xc1: {  	s0 =	sor.u32 s3, s0;
	s1 =	sshll.u32 s1, $0x11  }
0xc2: {  	s0 =	sor.u32 s1, s0  }
0xc3: {  	s0 =	sadd.s32 $0x8F2B, s0  }
0xc4: {  	[sflag:s0] =	ssyncadd.remote.s32 $0x1  }
0xc5: {  	_ =	sfence.sel $0xFFFF  }
0xc6: {  	[dreg:$0x0] =	wrdreg $0xFFFFFFFF;
	(pc) =	sbr.abs _section_cstart, $3  }
0xc7: {  	[dreg:$0x1] =	wrdreg $0xFFFFFFFF  }
0xc8: {  	_ =	task.clear_ibuf [dreg:s8], $0x2FFFF;
	_ =	strace $0x9FFFFFFF  }
0xc9: {  	(tm) =	ssettm $0x7FFFFFFF  }
tec
execute0_lowered:
.L_overlay_start_1:
0x0: {  	(tag) =	ssettag $0x1  }
0x1: {  	s1 =	stileid.u32  }
0x2: {  	p0 =	sgt.u32 s1, $0x1  }
.Ltmp0:
0x3: {  	s5 =	rddreg [dreg:$0x0];
	(pc) =	sbr.rel @p0 .LBB2_4-.Ltmp0, $4  }
0x4: {  	s3 =	rddreg [dreg:$0x1]  }
0x5: {  	s8 =	rddreg [dreg:$0x2];
	s2 =	simm.s32 $0x0  }
0x6: {  	[smem:$0x7FF] =	sst s2  }
0x7: {  	s0 =	rddreg [dreg:$0x3];
	_ =	strace $0x80000047  }
0x8: {  	s4 =	srdreg.scid  }
0x9: {  	s30 =	sshll.u32 s1, $0x1;
	s6 =	sand.u32 $0x1, s4  }
0xa: {  	s9 =	sor.u32 s6, s30  }
0xb: {  	s10 =	ssub.s32 $0x2, s6;
	s4 =	sadd.s32 s3, s9;
	s3 =	simm.s32 $0x2  }
0xc: {  	[tilespmem:s2], [sflag:$0x2] =	stream.linear.gather [hbm4b:s4+s2], $0x8, $0x38;
	[tilespmem:$0x108] =	vst v63  }
0xd: {  	s5 =	sadd.s32 $0x3000, s5;
	s11 =	sshrl.u32 s10, $0x1;
	_ =	swait.ge [sflag:s3], $0x8  }
0xe: {  	s7 =	simm.s32 $0x1;
	s10 =	ssub.s32 s10, s11;
	[sflag:s3] =	ssyncset.done $0x0  }
0xf: {  	s6 =	simm.s32 $0x8;
	s31 =	smax.u32 s10, $0x1;
	[sflag:s3] =	ssyncadd.s32 $0xFFFFFFF8  }
0x10: {  	[tilespmem:s6], [sflag:$0x1] =	stream.indirect.gather [hbm4b:s5+s6], $0x20, s2, s6, $0xb8;
	[tilespmem:$0x108] =	vst v63  }
0x11: {  	p0 =	sne.s32 s31, $0x1;
	_ =	swait.ge [sflag:s7], $0x100  }
.Ltmp1:
0x12: {  	s9 =	sshll.u32 s9, $0x5;
	[sflag:s7] =	ssyncset.done $0x0;
	(pc) =	sbr.rel @!p0 .LBB2_3-.Ltmp1, $4  }
0x13: {  	s8 =	sadd.s32 s8, s9;
	[sflag:s7] =	ssyncadd.s32 $0xFFFFFF00  }
0x14: {  	[hbm4b:s8+s2] =	stream.linear.scatter [tilespmem:s6], [sflag:$0x2], $0x100, $0x38;
	[tilespmem:$0x108] =	vst v63  }
0x15: {  	_ =	swait.ge [sflag:s3], $0x100  }
0x16: {  	s9 =	sadd.s32 $0xFFFFFFFF, s31;
	[sflag:s3] =	ssyncset.done $0x0  }
.LBB2_2:
0x17: {  	p0 =	sne.s32 s9, $0x1;
	s9 =	sadd.s32 $0xFFFFFFFF, s9;
	[sflag:s3] =	ssyncadd.s32 $0xFFFFFF00  }
0x18: {  	[tilespmem:s2], [sflag:$0x2] =	stream.linear.gather [hbm4b:s4+s2], $0x8, $0x38;
	[tilespmem:$0x108] =	vst v63  }
0x19: {  	_ =	swait.ge [sflag:s3], $0x8  }
0x1a: {  	[sflag:s3] =	ssyncset.done $0x0  }
0x1b: {  	[sflag:s3] =	ssyncadd.s32 $0xFFFFFFF8  }
0x1c: {  	[tilespmem:s6], [sflag:$0x1] =	stream.indirect.gather [hbm4b:s5+s6], $0x20, s2, s6, $0xb8;
	[tilespmem:$0x108] =	vst v63  }
0x1d: {  	_ =	swait.ge [sflag:s7], $0x100  }
.Ltmp2:
0x1e: {  	[sflag:s7] =	ssyncset.done $0x0;
	(pc) =	sbr.rel @p0 .LBB2_2-.Ltmp2, $4  }
0x1f: {  	[sflag:s7] =	ssyncadd.s32 $0xFFFFFF00  }
0x20: {  	[hbm4b:s8+s2] =	stream.linear.scatter [tilespmem:s6], [sflag:$0x2], $0x100, $0x38;
	[tilespmem:$0x108] =	vst v63  }
0x21: {  	_ =	swait.ge [sflag:s3], $0x100  }
0x22: {  	[sflag:s3] =	ssyncset.done $0x0  }
.LBB2_3:
0x23: {  	[sflag:s3] =	ssyncadd.s32 $0xFFFFFF00  }
.LBB2_4:
0x24: {  	_ =	sfence.sel $0x180000  }
0x25: {  	[bflag:$0x0] =	sbarrier.arrive $0xFFFF  }
0x26: {  	p0 =	sne.s32 s1, $0x0;
	_ =	strace $0x90000047  }
0x27: {  	s0 =	sadd.s32 @!p0 $0x100000, s0;
	[bflag:$0x2] =	sbarrier.arrive $0xFFFF  }
0x28: {  	[sflag:s0] =	ssyncadd.tile.s32 @!p0 $0x1;
	_ =	shalt  }
.Lfunc_end2:
_tile_overlayer_lowered:
.L_overlay_start_2:
0x29: {  	(tag) =	ssettag $0x2  }
0x2a: {  	s0 =	rddreg [dreg:$0x0];
	s2 =	stileid.u32  }
0x2b: {  	s1 =	rddreg [dreg:$0x1];
	p0 =	sne.s32 s2, $0x0  }
0x2c: {  	s3 =	rddreg [dreg:$0x2];
	[bflag:$0x3] =	sbarrier.arrive $0xFFFF;
	s2 =	simm.s32 @!p0 $0x1C02  }
0x2d: {  	[timem:s3], [sflag:s2] =	dma.local @!p0 [hbm:s0], s1  }
0x2e: {  	s0 =	simm.s32 @!p0 $0x2  }
0x2f: {  	_ =	swait.ge @!p0 [sflag:s0], s1  }
0x30: {  	s1 =	ssub.s32 @!p0 $0x0, s1;
	[sflag:s0] =	ssyncset.done @!p0 $0x0  }
0x31: {  	[sflag:s0] =	ssyncadd.s32 @!p0 s1  }
0x32: {  	[bflag:$0x3] =	sbarrier.arrive $0xFFFF  }
0x33: {  	_ =	shalt  }

</sc_bundles>
